<compile_context>
chip_gen: v7x
topology: tpu7x:2x2x1
jax: 0.10.2.dev20260603
libtpu: 0.0.44.dev20260713+nightly
codegen_flags: <defaults>
</compile_context>

<pallas_src>
import functools
import math

import jax
import jax.numpy as jnp
from jax import lax
from jax.experimental import pallas as pl
from jax.experimental.pallas import tpu as pltpu
from jax.experimental.pallas import tpu_sc as plsc

_B, _L, _D, _H, _V, _T = 2048, 50, 300, 5, 100000, 4
_DH = _D // _H
_SCALE = 1.0 / math.sqrt(_DH)
_DP = 384



def _sc_gather(table, tail, idx):
    info = plsc.get_sparse_core_info()
    nw = info.num_cores * info.num_subcores
    n = idx.shape[0]
    per_w = n // nw
    chunk = 80
    n_chunks = per_w // chunk

    mesh = plsc.VectorSubcoreMesh(core_axis_name="c", subcore_axis_name="s")

    @functools.partial(
        pl.kernel,
        out_type=[
            jax.ShapeDtypeStruct((n, 256), jnp.float32),
            jax.ShapeDtypeStruct((n, 128), jnp.float32),
        ],
        mesh=mesh,
        scratch_types=[
            pltpu.VMEM((per_w,), jnp.int32),
            pltpu.VMEM((chunk, 256), jnp.float32),
            pltpu.VMEM((chunk, 128), jnp.float32),
            pltpu.SemaphoreType.DMA,
            pltpu.SemaphoreType.DMA,
        ],
    )
    def gather_kernel(table_hbm, tail_hbm, idx_hbm, outa_hbm, outb_hbm,
                      idx_v, rows_a, rows_b, sema, semb):
        wid = lax.axis_index("s") * info.num_cores + lax.axis_index("c")
        base = pl.multiple_of(wid * per_w, 8)
        pltpu.sync_copy(idx_hbm.at[pl.ds(base, per_w)], idx_v)
        main = table_hbm.at[:, pl.ds(0, 256)]

        def body(j, _):
            off = pl.multiple_of(j * chunk, 8)
            ii = idx_v.at[pl.ds(off, chunk)]
            ca = pltpu.async_copy(main.at[ii], rows_a, sema)
            cb = pltpu.async_copy(tail_hbm.at[ii], rows_b, semb)
            ca.wait()
            cb.wait()
            pltpu.sync_copy(rows_a, outa_hbm.at[pl.ds(base + off, chunk)])
            pltpu.sync_copy(rows_b, outb_hbm.at[pl.ds(base + off, chunk)])
            return 0

        lax.fori_loop(0, n_chunks, body, 0)

    return gather_kernel(table, tail, idx)



def _tail_body(t_ref, out_ref):
    blk = t_ref.shape[0]
    out_ref[:, :_D - 256] = t_ref[:, 256:]
    out_ref[:, _D - 256:] = jnp.zeros((blk, 128 - (_D - 256)), jnp.float32)


def _tc_tail(table):
    v = table.shape[0]
    blk = 2048
    nblk = (v + blk - 1) // blk
    return pl.pallas_call(
        _tail_body,
        grid=(nblk,),
        in_specs=[pl.BlockSpec((blk, _D), lambda i: (i, 0))],
        out_specs=pl.BlockSpec((blk, 128), lambda i: (i, 0)),
        out_shape=jax.ShapeDtypeStruct((v, 128), jnp.float32),
        compiler_params=pltpu.CompilerParams(
            dimension_semantics=("arbitrary",),
        ),
    )(table)



_BB = 8
_S = _BB * _L


def _attn_body(xa_ref, xt_ref, w1a_ref, w1t_ref, b1_ref, w12_ref, b12_ref,
               wq2_ref, bq2_ref, wo2_ref, bo2_ref, fcw_ref, fcb_ref,
               m1_ref, m2_ref, out_ref):
    f32 = jnp.float32
    bf16 = jnp.bfloat16

    mask1 = m1_ref[...]
    mask2 = m2_ref[...]

    xa = xa_ref[...].astype(bf16)
    xt = xt_ref[...].astype(bf16)

    qkv = (jnp.dot(xa, w1a_ref[...], preferred_element_type=f32)
           + jnp.dot(xt, w1t_ref[...], preferred_element_type=f32)
           + b1_ref[...])
    q = (qkv[:, :_DP] * _SCALE).astype(bf16)
    k = qkv[:, _DP:2 * _DP].astype(bf16)
    v = qkv[:, 2 * _DP:].astype(bf16)

    ones_col = jnp.ones((_S, 1), dtype=bf16)
    o_heads = []
    for h in range(_H):
        sl = slice(h * _DH, (h + 1) * _DH)
        s = lax.dot_general(q[:, sl], k[:, sl],
                            ((( 1,), (1,)), ((), ())),
                            preferred_element_type=f32)
        e = (jnp.exp(s) * mask1).astype(bf16)
        vh1 = jnp.concatenate([v[:, sl], ones_col], axis=1)
        o_raw = jnp.dot(e, vh1, preferred_element_type=f32)
        o_heads.append(o_raw[:, :_DH] * (1.0 / o_raw[:, _DH:_DH + 1]))
    o1 = jnp.concatenate(o_heads, axis=1).astype(bf16)

    kv2 = jnp.dot(o1, w12_ref[...], preferred_element_type=f32) + b12_ref[...]
    k2 = kv2[:, :_DP].astype(bf16)
    e300 = jnp.where(
        lax.broadcasted_iota(jnp.int32, (1, _DP), 1) == _D, 1.0, 0.0)
    v2e = (kv2[:, _DP:] + e300).astype(bf16)

    o1_first = o1.reshape(_BB, _L, _D)[:, 0, :]
    q2 = jnp.dot(o1_first, wq2_ref[...], preferred_element_type=f32) \
        + bq2_ref[...]
    q2 = q2 * _SCALE

    lane = lax.broadcasted_iota(jnp.int32, (1, _DP), 1) // _DH
    q2_bd = jnp.concatenate(
        [q2 * jnp.where(lane == h, 1.0, 0.0) for h in range(_H)], axis=0)
    s2 = lax.dot_general(q2_bd.astype(bf16), k2,
                         (((1,), (1,)), ((), ())),
                         preferred_element_type=f32)
    e2 = (jnp.exp(s2) * mask2).astype(bf16)
    o2_raw = jnp.dot(e2, v2e, preferred_element_type=f32)
    o2_heads = []
    for h in range(_H):
        blkh = o2_raw[h * _BB:(h + 1) * _BB]
        o2_heads.append(blkh[:, h * _DH:(h + 1) * _DH]
                        * (1.0 / blkh[:, _D:_D + 1]))
    o2 = jnp.concatenate(o2_heads, axis=1).astype(bf16)

    sf = jnp.dot(o2, wo2_ref[...], preferred_element_type=f32) + bo2_ref[...]
    out = jnp.dot(sf.astype(bf16), fcw_ref[...],
                  preferred_element_type=f32) + fcb_ref[...]
    out_ref[...] = out[None]


def _tc_fused(xa, xt, w1a, w1t, b1, w12b, b12, wq2b, bq2, wo2b, bo2, fcwb,
              fcb, m1, m2):
    nblk = xa.shape[0] // (_BB * _L)
    full = lambda shape: pl.BlockSpec(shape, lambda i: (0,) * len(shape))
    return pl.pallas_call(
        _attn_body,
        grid=(nblk,),
        in_specs=[
            pl.BlockSpec((_S, 256), lambda i: (i, 0)),
            pl.BlockSpec((_S, 128), lambda i: (i, 0)),
            full((256, 3 * _DP)), full((128, 3 * _DP)),
            full((1, 3 * _DP)),
            full((_D, 2 * _DP)), full((1, 2 * _DP)),
            full((_D, _DP)), full((1, _DP)),
            full((_D, _D)), full((1, _D)),
            full((_D, _T)), full((1, _T)),
            full((_S, _S)), full((_H * _BB, _S)),
        ],
        out_specs=pl.BlockSpec((1, _BB, _T), lambda i: (i, 0, 0)),
        out_shape=jax.ShapeDtypeStruct((nblk, _BB, _T), jnp.float32),
        compiler_params=pltpu.CompilerParams(
            dimension_semantics=("arbitrary",),
        ),
    )(xa, xt, w1a, w1t, b1, w12b, b12, wq2b, bq2, wo2b, bo2, fcwb, fcb,
      m1, m2)


def _mk_mask1():
    r = jnp.arange(_S)[:, None] // _L
    c = jnp.arange(_S)[None, :] // _L
    return (r == c).astype(jnp.float32)


def _mk_mask2():
    r = jnp.arange(_H * _BB)[:, None] % _BB
    c = jnp.arange(_S)[None, :] // _L
    return (r == c).astype(jnp.float32)



def kernel(nodeText, mission, embed_table, W1, b1, Wo1, bo1, W2, b2, Wo2, bo2,
           fcW, fcb):
    del mission
    bf16 = jnp.bfloat16

    flat = nodeText.reshape(-1).astype(jnp.int32)
    tail_p = _tc_tail(embed_table)

    w2q, w2kv = W2[:, :_D], W2[:, _D:]
    w12f = Wo1 @ w2kv
    b12f = bo1 @ w2kv + b2[_D:]
    w12 = jnp.zeros((_D, 2, _DP), jnp.float32).at[:, :, :_D].set(
        w12f.reshape(_D, 2, _D)).reshape(_D, 2 * _DP).astype(bf16)
    b12 = jnp.zeros((2, _DP), jnp.float32).at[:, :_D].set(
        b12f.reshape(2, _D)).reshape(1, 2 * _DP)
    wq2 = jnp.pad(Wo1 @ w2q, ((0, 0), (0, _DP - _D))).astype(bf16)
    bq2 = jnp.pad(bo1 @ w2q + b2[:_D], (0, _DP - _D)).reshape(1, -1)

    w1s = W1.astype(bf16).reshape(_D, 3, _D)
    w1a = jnp.zeros((256, 3, _DP), jnp.bfloat16).at[:, :, :_D].set(
        w1s[:256]).reshape(256, 3 * _DP)
    w1t = jnp.zeros((128, 3, _DP), jnp.bfloat16).at[:_D - 256, :, :_D].set(
        w1s[256:]).reshape(128, 3 * _DP)
    b1p = jnp.zeros((3, _DP), jnp.float32).at[:, :_D].set(
        b1.reshape(3, _D)).reshape(1, 3 * _DP)
    weights = (
        w1a, w1t, b1p,
        w12, b12,
        wq2, bq2,
        Wo2.astype(bf16), bo2.reshape(1, -1),
        fcW.astype(bf16), fcb.reshape(1, -1),
        _mk_mask1(), _mk_mask2(),
    )

    nchunk = 4
    tok_c = (_B * _L) // nchunk
    outs = []
    for c in range(nchunk):
        idx_c = lax.slice(flat, (c * tok_c,), ((c + 1) * tok_c,))
        xa_c, xt_c = _sc_gather(embed_table, tail_p, idx_c)
        outs.append(_tc_fused(xa_c, xt_c, *weights))
    out = jnp.concatenate(outs, axis=0)
    return out.reshape(_B, _T)

# --- scband reference (transcript-rebuilt; emitter-appended) ---
"""Pipeline reference for scband-abgcn-77412490543557 (READ-ONLY COPY).

The authoritative reference and input builder live on the scoring server;
editing this copy changes nothing except your own understanding.
"""

import jax, jax.numpy as jnp
import numpy as np

B, L, D, H, V, T = 2048, 50, 300, 5, 100000, 4
DH = D // H


def _mha(x, Win, bin_, Wo, bo):
    # faithful torch.nn.MultiheadAttention (batch_first=True, self-attention, dropout=0)
    qkv = x @ Win + bin_
    q, k, v = jnp.split(qkv, 3, axis=-1)
    def sp(t):
        return t.reshape(B, L, H, DH).transpose(0, 2, 1, 3)
    q = sp(q); k = sp(k); v = sp(v)
    scores = (q @ k.transpose(0, 1, 3, 2)) / (DH ** 0.5)
    att = jax.nn.softmax(scores, axis=-1)
    o = (att @ v).transpose(0, 2, 1, 3).reshape(B, L, D)
    return o @ Wo + bo


def setup_inputs(seed: int = 0):
    key = jax.random.key(seed)
    ks = jax.random.split(key, 10)
    s = 0.02
    return {
        'nodeText': jax.random.randint(ks[0], (B, L), 0, V),
        'mission': 0,
        'embed_table': jax.random.normal(ks[1], (V + 1, D), dtype=jnp.float32) * s,
        'W1': jax.random.normal(ks[2], (D, 3 * D), dtype=jnp.float32) * s,
        'b1': jnp.zeros((3 * D,), dtype=jnp.float32),
        'Wo1': jax.random.normal(ks[3], (D, D), dtype=jnp.float32) * s,
        'bo1': jnp.zeros((D,), dtype=jnp.float32),
        'W2': jax.random.normal(ks[4], (D, 3 * D), dtype=jnp.float32) * s,
        'b2': jnp.zeros((3 * D,), dtype=jnp.float32),
        'Wo2': jax.random.normal(ks[5], (D, D), dtype=jnp.float32) * s,
        'bo2': jnp.zeros((D,), dtype=jnp.float32),
        'fcW': jax.random.normal(ks[6], (D, T), dtype=jnp.float32) * s,
        'fcb': jnp.zeros((T,), dtype=jnp.float32),
    }


def reference(nodeText, mission, embed_table, W1, b1, Wo1, bo1, W2, b2, Wo2, bo2, fcW, fcb):
    # ABGCN.forward(thread, mission) with mission != 1 (stance branch)
    flat = nodeText.reshape(-1)
    x = jnp.take(embed_table, flat, axis=0).reshape(B, L, D)   # embedding gather
    x = _mha(x, W1, b1, Wo1, bo1)                               # wordAttention
    x = _mha(x, W2, b2, Wo2, bo2)                               # stanceAttention (mission != 1)
    stanceFeature = x[:, 0, :]                                  # first token of each post
    return stanceFeature @ fcW + fcb                            # stanceFc -> [B, numStanceTag]

if __name__ == "__main__":
    import jax
    _d = setup_inputs()
    print(jax.jit(kernel)(*tuple(_d.values())))

</pallas_src>

<mosaic_0001>
#map = affine_map<(d0, d1) -> (0, 0)>
#map1 = affine_map<(d0, d1) -> (0)>
module attributes {stable_mosaic.version = 14 : i64} {
  func.func @gather_kernel(%arg0: i32, %arg1: i32, %arg2: memref<100001x300xf32, #tpu.memory_space<hbm>>, %arg3: memref<100001x128xf32, #tpu.memory_space<hbm>>, %arg4: memref<25600xi32, #tpu.memory_space<hbm>>, %arg5: memref<25600x256xf32, #tpu.memory_space<hbm>>, %arg6: memref<25600x128xf32, #tpu.memory_space<hbm>>, %arg7: memref<800xi32, #tpu.memory_space<vmem>>, %arg8: memref<80x256xf32, #tpu.memory_space<vmem>>, %arg9: memref<80x128xf32, #tpu.memory_space<vmem>>, %arg10: memref<!tpu.dma_semaphore, #tpu.memory_space<semaphore_mem>>, %arg11: memref<!tpu.dma_semaphore, #tpu.memory_space<semaphore_mem>>) attributes {dimension_semantics = [#tpu.dimension_semantics<core_parallel>, #tpu.dimension_semantics<subcore_parallel>], iteration_bounds = array<i64: 2, 16>, scalar_prefetch = 0 : i64, scratch_operands = 5 : i64, tpu.core_type = #tpu.core_type<sc_vector_subcore>, window_params = [{transform_indices = #map}, {transform_indices = #map}, {transform_indices = #map1}, {transform_indices = #map}, {transform_indices = #map}]} {
    %mul3A = arith.constant 2 : i32
    %mul3A_0 = arith.muli %arg1, %mul3A : i32
    %add3A = arith.addi %mul3A_0, %arg0 : i32
    %mul3A_1 = arith.constant 800 : i32
    %mul3A_2 = arith.muli %add3A, %mul3A_1 : i32
    %multiple_of3A = tpu.assume_multiple %mul3A_2, 8 : i32
    "tpu.region"() ({
      %run_scoped3A = tpu.sem_alloc : memref<!tpu.dma_semaphore, #tpu.memory_space<semaphore_mem>>
      %dma_start3A = tpu.memref_slice %arg4[%multiple_of3A] : memref<25600xi32, #tpu.memory_space<hbm>> -> memref<800xi32, #tpu.memory_space<hbm>>
      %dma_start3A_9 = tpu.memref_slice %arg4[%multiple_of3A] : memref<25600xi32, #tpu.memory_space<hbm>> -> memref<800xi32, #tpu.memory_space<hbm>>
      tpu.enqueue_dma source(%dma_start3A_9 : memref<800xi32, #tpu.memory_space<hbm>>) target(%arg7 : memref<800xi32, #tpu.memory_space<vmem>>) target_semaphore(%run_scoped3A : memref<!tpu.dma_semaphore, #tpu.memory_space<semaphore_mem>>)
      %dma_wait3A = tpu.memref_slice %arg4[%multiple_of3A] : memref<25600xi32, #tpu.memory_space<hbm>> -> memref<800xi32, #tpu.memory_space<hbm>>
      %dma_wait3A_10 = tpu.memref_slice %arg4[%multiple_of3A] : memref<25600xi32, #tpu.memory_space<hbm>> -> memref<800xi32, #tpu.memory_space<hbm>>
      tpu.wait_dma2 semaphore(%run_scoped3A : memref<!tpu.dma_semaphore, #tpu.memory_space<semaphore_mem>>) src(%dma_wait3A_10 : memref<800xi32, #tpu.memory_space<hbm>>) dst(%arg7 : memref<800xi32, #tpu.memory_space<vmem>>)
      tpu.yield
    }) : () -> ()
    %scan3A = arith.constant 0 : i32
    %scan3A_3 = arith.constant 0 : i32
    %scan3A_4 = arith.constant 10 : i32
    %scan3A_5 = arith.addi %scan3A_3, %scan3A_4 : i32
    %scan3A_6 = arith.constant 1 : i32
    %scan3A_7 = scf.for %scan3A_9 = %scan3A_3 to %scan3A_5 step %scan3A_6 iter_args(%scan3A_10 = %scan3A) -> (i32)  : i32 {
      %mul3A_11 = arith.constant 80 : i32
      %mul3A_12 = arith.muli %scan3A_9, %mul3A_11 : i32
      %multiple_of3A_13 = tpu.assume_multiple %mul3A_12, 8 : i32
      %dma_start3A = tpu.memref_slice %arg7[%multiple_of3A_13] : memref<800xi32, #tpu.memory_space<vmem>> -> memref<80xi32, #tpu.memory_space<vmem>>
      %dma_start3A_14 = arith.constant 0 : i32
      %dma_start3A_15 = arith.constant 0 : i32
      %dma_start3A_16 = tpu.memref_slice %arg2[%dma_start3A_14, %dma_start3A_15] : memref<100001x300xf32, #tpu.memory_space<hbm>> -> memref<100001x256xf32, #tpu.memory_space<hbm>>
      %dma_start3A_17 = arith.constant 0 : i32
      %dma_start3A_18 = arith.constant 0 : i32
      %dma_start3A_19 = tpu.memref_slice %dma_start3A_16[%dma_start3A_17, %dma_start3A_18] : memref<100001x256xf32, #tpu.memory_space<hbm>> -> memref<100001x256xf32, #tpu.memory_space<hbm>>
      tpu.enqueue_indirect_dma source(%dma_start3A_19 : memref<100001x256xf32, #tpu.memory_space<hbm>>) target(%arg8 : memref<80x256xf32, #tpu.memory_space<vmem>>) offsets(%dma_start3A : memref<80xi32, #tpu.memory_space<vmem>>) semaphore(%arg10 : memref<!tpu.dma_semaphore, #tpu.memory_space<semaphore_mem>>)
      %dma_start3A_20 = tpu.memref_slice %arg7[%multiple_of3A_13] : memref<800xi32, #tpu.memory_space<vmem>> -> memref<80xi32, #tpu.memory_space<vmem>>
      %dma_start3A_21 = arith.constant 0 : i32
      %dma_start3A_22 = arith.constant 0 : i32
      %dma_start3A_23 = tpu.memref_slice %arg3[%dma_start3A_21, %dma_start3A_22] : memref<100001x128xf32, #tpu.memory_space<hbm>> -> memref<100001x128xf32, #tpu.memory_space<hbm>>
      tpu.enqueue_indirect_dma source(%dma_start3A_23 : memref<100001x128xf32, #tpu.memory_space<hbm>>) target(%arg9 : memref<80x128xf32, #tpu.memory_space<vmem>>) offsets(%dma_start3A_20 : memref<80xi32, #tpu.memory_space<vmem>>) semaphore(%arg11 : memref<!tpu.dma_semaphore, #tpu.memory_space<semaphore_mem>>)
      %dma_wait3A = tpu.memref_slice %arg7[%multiple_of3A_13] : memref<800xi32, #tpu.memory_space<vmem>> -> memref<80xi32, #tpu.memory_space<vmem>>
      %dma_wait3A_24 = arith.constant 0 : i32
      %dma_wait3A_25 = arith.constant 0 : i32
      %dma_wait3A_26 = tpu.memref_slice %arg2[%dma_wait3A_24, %dma_wait3A_25] : memref<100001x300xf32, #tpu.memory_space<hbm>> -> memref<100001x256xf32, #tpu.memory_space<hbm>>
      %dma_wait3A_27 = arith.constant 0 : i32
      %dma_wait3A_28 = arith.constant 0 : i32
      %dma_wait3A_29 = tpu.memref_slice %dma_wait3A_26[%dma_wait3A_27, %dma_wait3A_28] : memref<100001x256xf32, #tpu.memory_space<hbm>> -> memref<100001x256xf32, #tpu.memory_space<hbm>>
      tpu.wait_indirect_dma semaphore(%arg10 : memref<!tpu.dma_semaphore, #tpu.memory_space<semaphore_mem>>) src(%dma_wait3A_29 : memref<100001x256xf32, #tpu.memory_space<hbm>>) dst(%arg8 : memref<80x256xf32, #tpu.memory_space<vmem>>)
      %dma_wait3A_30 = tpu.memref_slice %arg7[%multiple_of3A_13] : memref<800xi32, #tpu.memory_space<vmem>> -> memref<80xi32, #tpu.memory_space<vmem>>
      %dma_wait3A_31 = arith.constant 0 : i32
      %dma_wait3A_32 = arith.constant 0 : i32
      %dma_wait3A_33 = tpu.memref_slice %arg3[%dma_wait3A_31, %dma_wait3A_32] : memref<100001x128xf32, #tpu.memory_space<hbm>> -> memref<100001x128xf32, #tpu.memory_space<hbm>>
      tpu.wait_indirect_dma semaphore(%arg11 : memref<!tpu.dma_semaphore, #tpu.memory_space<semaphore_mem>>) src(%dma_wait3A_33 : memref<100001x128xf32, #tpu.memory_space<hbm>>) dst(%arg9 : memref<80x128xf32, #tpu.memory_space<vmem>>)
      %add3A_34 = arith.addi %multiple_of3A, %multiple_of3A_13 : i32
      "tpu.region"() ({
        %run_scoped3A = tpu.sem_alloc : memref<!tpu.dma_semaphore, #tpu.memory_space<semaphore_mem>>
        %dma_start3A_37 = arith.constant 0 : i32
        %dma_start3A_38 = tpu.memref_slice %arg5[%add3A_34, %dma_start3A_37] : memref<25600x256xf32, #tpu.memory_space<hbm>> -> memref<80x256xf32, #tpu.memory_space<hbm>>
        %dma_start3A_39 = arith.constant 0 : i32
        %dma_start3A_40 = tpu.memref_slice %arg5[%add3A_34, %dma_start3A_39] : memref<25600x256xf32, #tpu.memory_space<hbm>> -> memref<80x256xf32, #tpu.memory_space<hbm>>
        tpu.enqueue_dma source(%arg8 : memref<80x256xf32, #tpu.memory_space<vmem>>) target(%dma_start3A_40 : memref<80x256xf32, #tpu.memory_space<hbm>>) target_semaphore(%run_scoped3A : memref<!tpu.dma_semaphore, #tpu.memory_space<semaphore_mem>>)
        %dma_wait3A_41 = arith.constant 0 : i32
        %dma_wait3A_42 = tpu.memref_slice %arg5[%add3A_34, %dma_wait3A_41] : memref<25600x256xf32, #tpu.memory_space<hbm>> -> memref<80x256xf32, #tpu.memory_space<hbm>>
        %dma_wait3A_43 = arith.constant 0 : i32
        %dma_wait3A_44 = tpu.memref_slice %arg5[%add3A_34, %dma_wait3A_43] : memref<25600x256xf32, #tpu.memory_space<hbm>> -> memref<80x256xf32, #tpu.memory_space<hbm>>
        tpu.wait_dma2 semaphore(%run_scoped3A : memref<!tpu.dma_semaphore, #tpu.memory_space<semaphore_mem>>) src(%arg8 : memref<80x256xf32, #tpu.memory_space<vmem>>) dst(%dma_wait3A_44 : memref<80x256xf32, #tpu.memory_space<hbm>>)
        tpu.yield
      }) : () -> ()
      %add3A_35 = arith.addi %multiple_of3A, %multiple_of3A_13 : i32
      "tpu.region"() ({
        %run_scoped3A = tpu.sem_alloc : memref<!tpu.dma_semaphore, #tpu.memory_space<semaphore_mem>>
        %dma_start3A_37 = arith.constant 0 : i32
        %dma_start3A_38 = tpu.memref_slice %arg6[%add3A_35, %dma_start3A_37] : memref<25600x128xf32, #tpu.memory_space<hbm>> -> memref<80x128xf32, #tpu.memory_space<hbm>>
        %dma_start3A_39 = arith.constant 0 : i32
        %dma_start3A_40 = tpu.memref_slice %arg6[%add3A_35, %dma_start3A_39] : memref<25600x128xf32, #tpu.memory_space<hbm>> -> memref<80x128xf32, #tpu.memory_space<hbm>>
        tpu.enqueue_dma source(%arg9 : memref<80x128xf32, #tpu.memory_space<vmem>>) target(%dma_start3A_40 : memref<80x128xf32, #tpu.memory_space<hbm>>) target_semaphore(%run_scoped3A : memref<!tpu.dma_semaphore, #tpu.memory_space<semaphore_mem>>)
        %dma_wait3A_41 = arith.constant 0 : i32
        %dma_wait3A_42 = tpu.memref_slice %arg6[%add3A_35, %dma_wait3A_41] : memref<25600x128xf32, #tpu.memory_space<hbm>> -> memref<80x128xf32, #tpu.memory_space<hbm>>
        %dma_wait3A_43 = arith.constant 0 : i32
        %dma_wait3A_44 = tpu.memref_slice %arg6[%add3A_35, %dma_wait3A_43] : memref<25600x128xf32, #tpu.memory_space<hbm>> -> memref<80x128xf32, #tpu.memory_space<hbm>>
        tpu.wait_dma2 semaphore(%run_scoped3A : memref<!tpu.dma_semaphore, #tpu.memory_space<semaphore_mem>>) src(%arg9 : memref<80x128xf32, #tpu.memory_space<vmem>>) dst(%dma_wait3A_44 : memref<80x128xf32, #tpu.memory_space<hbm>>)
        tpu.yield
      }) : () -> ()
      %scan3A_36 = arith.constant 0 : i32
      scf.yield %scan3A_36 : i32
    }
    %scan3A_8 = arith.constant 10 : i32
    return
  }
}

#map = affine_map<(d0, d1) -> (0, 0)>
#map1 = affine_map<(d0, d1) -> (0)>
module attributes {stable_mosaic.version = 14 : i64} {
  func.func @gather_kernel(%arg0: i32, %arg1: i32, %arg2: memref<100001x300xf32, #tpu.memory_space<hbm>>, %arg3: memref<100001x128xf32, #tpu.memory_space<hbm>>, %arg4: memref<25600xi32, #tpu.memory_space<hbm>>, %arg5: memref<25600x256xf32, #tpu.memory_space<hbm>>, %arg6: memref<25600x128xf32, #tpu.memory_space<hbm>>, %arg7: memref<800xi32, #tpu.memory_space<vmem>>, %arg8: memref<80x256xf32, #tpu.memory_space<vmem>>, %arg9: memref<80x128xf32, #tpu.memory_space<vmem>>, %arg10: memref<!tpu.dma_semaphore, #tpu.memory_space<semaphore_mem>>, %arg11: memref<!tpu.dma_semaphore, #tpu.memory_space<semaphore_mem>>) attributes {dimension_semantics = [#tpu.dimension_semantics<core_parallel>, #tpu.dimension_semantics<subcore_parallel>], iteration_bounds = array<i64: 2, 16>, scalar_prefetch = 0 : i64, scratch_operands = 5 : i64, tpu.core_type = #tpu.core_type<sc_vector_subcore>, window_params = [{transform_indices = #map}, {transform_indices = #map}, {transform_indices = #map1}, {transform_indices = #map}, {transform_indices = #map}]} {
    %mul3A = arith.constant 2 : i32
    %mul3A_0 = arith.muli %arg1, %mul3A : i32
    %add3A = arith.addi %mul3A_0, %arg0 : i32
    %mul3A_1 = arith.constant 800 : i32
    %mul3A_2 = arith.muli %add3A, %mul3A_1 : i32
    %multiple_of3A = tpu.assume_multiple %mul3A_2, 8 : i32
    "tpu.region"() ({
      %run_scoped3A = tpu.sem_alloc : memref<!tpu.dma_semaphore, #tpu.memory_space<semaphore_mem>>
      %dma_start3A = tpu.memref_slice %arg4[%multiple_of3A] : memref<25600xi32, #tpu.memory_space<hbm>> -> memref<800xi32, #tpu.memory_space<hbm>>
      %dma_start3A_9 = tpu.memref_slice %arg4[%multiple_of3A] : memref<25600xi32, #tpu.memory_space<hbm>> -> memref<800xi32, #tpu.memory_space<hbm>>
      tpu.enqueue_dma source(%dma_start3A_9 : memref<800xi32, #tpu.memory_space<hbm>>) target(%arg7 : memref<800xi32, #tpu.memory_space<vmem>>) target_semaphore(%run_scoped3A : memref<!tpu.dma_semaphore, #tpu.memory_space<semaphore_mem>>)
      %dma_wait3A = tpu.memref_slice %arg4[%multiple_of3A] : memref<25600xi32, #tpu.memory_space<hbm>> -> memref<800xi32, #tpu.memory_space<hbm>>
      %dma_wait3A_10 = tpu.memref_slice %arg4[%multiple_of3A] : memref<25600xi32, #tpu.memory_space<hbm>> -> memref<800xi32, #tpu.memory_space<hbm>>
      tpu.wait_dma2 semaphore(%run_scoped3A : memref<!tpu.dma_semaphore, #tpu.memory_space<semaphore_mem>>) src(%dma_wait3A_10 : memref<800xi32, #tpu.memory_space<hbm>>) dst(%arg7 : memref<800xi32, #tpu.memory_space<vmem>>)
      tpu.yield
    }) : () -> ()
    %scan3A = arith.constant 0 : i32
    %scan3A_3 = arith.constant 0 : i32
    %scan3A_4 = arith.constant 10 : i32
    %scan3A_5 = arith.addi %scan3A_3, %scan3A_4 : i32
    %scan3A_6 = arith.constant 1 : i32
    %scan3A_7 = scf.for %scan3A_9 = %scan3A_3 to %scan3A_5 step %scan3A_6 iter_args(%scan3A_10 = %scan3A) -> (i32)  : i32 {
      %mul3A_11 = arith.constant 80 : i32
      %mul3A_12 = arith.muli %scan3A_9, %mul3A_11 : i32
      %multiple_of3A_13 = tpu.assume_multiple %mul3A_12, 8 : i32
      %dma_start3A = tpu.memref_slice %arg7[%multiple_of3A_13] : memref<800xi32, #tpu.memory_space<vmem>> -> memref<80xi32, #tpu.memory_space<vmem>>
      %dma_start3A_14 = arith.constant 0 : i32
      %dma_start3A_15 = arith.constant 0 : i32
      %dma_start3A_16 = tpu.memref_slice %arg2[%dma_start3A_14, %dma_start3A_15] : memref<100001x300xf32, #tpu.memory_space<hbm>> -> memref<100001x256xf32, #tpu.memory_space<hbm>>
      %dma_start3A_17 = arith.constant 0 : i32
      %dma_start3A_18 = arith.constant 0 : i32
      %dma_start3A_19 = tpu.memref_slice %dma_start3A_16[%dma_start3A_17, %dma_start3A_18] : memref<100001x256xf32, #tpu.memory_space<hbm>> -> memref<100001x256xf32, #tpu.memory_space<hbm>>
      tpu.enqueue_indirect_dma source(%dma_start3A_19 : memref<100001x256xf32, #tpu.memory_space<hbm>>) target(%arg8 : memref<80x256xf32, #tpu.memory_space<vmem>>) offsets(%dma_start3A : memref<80xi32, #tpu.memory_space<vmem>>) semaphore(%arg10 : memref<!tpu.dma_semaphore, #tpu.memory_space<semaphore_mem>>)
      %dma_start3A_20 = tpu.memref_slice %arg7[%multiple_of3A_13] : memref<800xi32, #tpu.memory_space<vmem>> -> memref<80xi32, #tpu.memory_space<vmem>>
      %dma_start3A_21 = arith.constant 0 : i32
      %dma_start3A_22 = arith.constant 0 : i32
      %dma_start3A_23 = tpu.memref_slice %arg3[%dma_start3A_21, %dma_start3A_22] : memref<100001x128xf32, #tpu.memory_space<hbm>> -> memref<100001x128xf32, #tpu.memory_space<hbm>>
      tpu.enqueue_indirect_dma source(%dma_start3A_23 : memref<100001x128xf32, #tpu.memory_space<hbm>>) target(%arg9 : memref<80x128xf32, #tpu.memory_space<vmem>>) offsets(%dma_start3A_20 : memref<80xi32, #tpu.memory_space<vmem>>) semaphore(%arg11 : memref<!tpu.dma_semaphore, #tpu.memory_space<semaphore_mem>>)
      %dma_wait3A = tpu.memref_slice %arg7[%multiple_of3A_13] : memref<800xi32, #tpu.memory_space<vmem>> -> memref<80xi32, #tpu.memory_space<vmem>>
      %dma_wait3A_24 = arith.constant 0 : i32
      %dma_wait3A_25 = arith.constant 0 : i32
      %dma_wait3A_26 = tpu.memref_slice %arg2[%dma_wait3A_24, %dma_wait3A_25] : memref<100001x300xf32, #tpu.memory_space<hbm>> -> memref<100001x256xf32, #tpu.memory_space<hbm>>
      %dma_wait3A_27 = arith.constant 0 : i32
      %dma_wait3A_28 = arith.constant 0 : i32
      %dma_wait3A_29 = tpu.memref_slice %dma_wait3A_26[%dma_wait3A_27, %dma_wait3A_28] : memref<100001x256xf32, #tpu.memory_space<hbm>> -> memref<100001x256xf32, #tpu.memory_space<hbm>>
      tpu.wait_indirect_dma semaphore(%arg10 : memref<!tpu.dma_semaphore, #tpu.memory_space<semaphore_mem>>) src(%dma_wait3A_29 : memref<100001x256xf32, #tpu.memory_space<hbm>>) dst(%arg8 : memref<80x256xf32, #tpu.memory_space<vmem>>)
      %dma_wait3A_30 = tpu.memref_slice %arg7[%multiple_of3A_13] : memref<800xi32, #tpu.memory_space<vmem>> -> memref<80xi32, #tpu.memory_space<vmem>>
      %dma_wait3A_31 = arith.constant 0 : i32
      %dma_wait3A_32 = arith.constant 0 : i32
      %dma_wait3A_33 = tpu.memref_slice %arg3[%dma_wait3A_31, %dma_wait3A_32] : memref<100001x128xf32, #tpu.memory_space<hbm>> -> memref<100001x128xf32, #tpu.memory_space<hbm>>
      tpu.wait_indirect_dma semaphore(%arg11 : memref<!tpu.dma_semaphore, #tpu.memory_space<semaphore_mem>>) src(%dma_wait3A_33 : memref<100001x128xf32, #tpu.memory_space<hbm>>) dst(%arg9 : memref<80x128xf32, #tpu.memory_space<vmem>>)
      %add3A_34 = arith.addi %multiple_of3A, %multiple_of3A_13 : i32
      "tpu.region"() ({
        %run_scoped3A = tpu.sem_alloc : memref<!tpu.dma_semaphore, #tpu.memory_space<semaphore_mem>>
        %dma_start3A_37 = arith.constant 0 : i32
        %dma_start3A_38 = tpu.memref_slice %arg5[%add3A_34, %dma_start3A_37] : memref<25600x256xf32, #tpu.memory_space<hbm>> -> memref<80x256xf32, #tpu.memory_space<hbm>>
        %dma_start3A_39 = arith.constant 0 : i32
        %dma_start3A_40 = tpu.memref_slice %arg5[%add3A_34, %dma_start3A_39] : memref<25600x256xf32, #tpu.memory_space<hbm>> -> memref<80x256xf32, #tpu.memory_space<hbm>>
        tpu.enqueue_dma source(%arg8 : memref<80x256xf32, #tpu.memory_space<vmem>>) target(%dma_start3A_40 : memref<80x256xf32, #tpu.memory_space<hbm>>) target_semaphore(%run_scoped3A : memref<!tpu.dma_semaphore, #tpu.memory_space<semaphore_mem>>)
        %dma_wait3A_41 = arith.constant 0 : i32
        %dma_wait3A_42 = tpu.memref_slice %arg5[%add3A_34, %dma_wait3A_41] : memref<25600x256xf32, #tpu.memory_space<hbm>> -> memref<80x256xf32, #tpu.memory_space<hbm>>
        %dma_wait3A_43 = arith.constant 0 : i32
        %dma_wait3A_44 = tpu.memref_slice %arg5[%add3A_34, %dma_wait3A_43] : memref<25600x256xf32, #tpu.memory_space<hbm>> -> memref<80x256xf32, #tpu.memory_space<hbm>>
        tpu.wait_dma2 semaphore(%run_scoped3A : memref<!tpu.dma_semaphore, #tpu.memory_space<semaphore_mem>>) src(%arg8 : memref<80x256xf32, #tpu.memory_space<vmem>>) dst(%dma_wait3A_44 : memref<80x256xf32, #tpu.memory_space<hbm>>)
        tpu.yield
      }) : () -> ()
      %add3A_35 = arith.addi %multiple_of3A, %multiple_of3A_13 : i32
      "tpu.region"() ({
        %run_scoped3A = tpu.sem_alloc : memref<!tpu.dma_semaphore, #tpu.memory_space<semaphore_mem>>
        %dma_start3A_37 = arith.constant 0 : i32
        %dma_start3A_38 = tpu.memref_slice %arg6[%add3A_35, %dma_start3A_37] : memref<25600x128xf32, #tpu.memory_space<hbm>> -> memref<80x128xf32, #tpu.memory_space<hbm>>
        %dma_start3A_39 = arith.constant 0 : i32
        %dma_start3A_40 = tpu.memref_slice %arg6[%add3A_35, %dma_start3A_39] : memref<25600x128xf32, #tpu.memory_space<hbm>> -> memref<80x128xf32, #tpu.memory_space<hbm>>
        tpu.enqueue_dma source(%arg9 : memref<80x128xf32, #tpu.memory_space<vmem>>) target(%dma_start3A_40 : memref<80x128xf32, #tpu.memory_space<hbm>>) target_semaphore(%run_scoped3A : memref<!tpu.dma_semaphore, #tpu.memory_space<semaphore_mem>>)
        %dma_wait3A_41 = arith.constant 0 : i32
        %dma_wait3A_42 = tpu.memref_slice %arg6[%add3A_35, %dma_wait3A_41] : memref<25600x128xf32, #tpu.memory_space<hbm>> -> memref<80x128xf32, #tpu.memory_space<hbm>>
        %dma_wait3A_43 = arith.constant 0 : i32
        %dma_wait3A_44 = tpu.memref_slice %arg6[%add3A_35, %dma_wait3A_43] : memref<25600x128xf32, #tpu.memory_space<hbm>> -> memref<80x128xf32, #tpu.memory_space<hbm>>
        tpu.wait_dma2 semaphore(%run_scoped3A : memref<!tpu.dma_semaphore, #tpu.memory_space<semaphore_mem>>) src(%arg9 : memref<80x128xf32, #tpu.memory_space<vmem>>) dst(%dma_wait3A_44 : memref<80x128xf32, #tpu.memory_space<hbm>>)
        tpu.yield
      }) : () -> ()
      %scan3A_36 = arith.constant 0 : i32
      scf.yield %scan3A_36 : i32
    }
    %scan3A_8 = arith.constant 10 : i32
    return
  }
}

#map = affine_map<(d0, d1) -> (0, 0)>
#map1 = affine_map<(d0, d1) -> (0)>
module attributes {stable_mosaic.version = 14 : i64} {
  func.func @gather_kernel(%arg0: i32, %arg1: i32, %arg2: memref<100001x300xf32, #tpu.memory_space<hbm>>, %arg3: memref<100001x128xf32, #tpu.memory_space<hbm>>, %arg4: memref<25600xi32, #tpu.memory_space<hbm>>, %arg5: memref<25600x256xf32, #tpu.memory_space<hbm>>, %arg6: memref<25600x128xf32, #tpu.memory_space<hbm>>, %arg7: memref<800xi32, #tpu.memory_space<vmem>>, %arg8: memref<80x256xf32, #tpu.memory_space<vmem>>, %arg9: memref<80x128xf32, #tpu.memory_space<vmem>>, %arg10: memref<!tpu.dma_semaphore, #tpu.memory_space<semaphore_mem>>, %arg11: memref<!tpu.dma_semaphore, #tpu.memory_space<semaphore_mem>>) attributes {dimension_semantics = [#tpu.dimension_semantics<core_parallel>, #tpu.dimension_semantics<subcore_parallel>], iteration_bounds = array<i64: 2, 16>, scalar_prefetch = 0 : i64, scratch_operands = 5 : i64, tpu.core_type = #tpu.core_type<sc_vector_subcore>, window_params = [{transform_indices = #map}, {transform_indices = #map}, {transform_indices = #map1}, {transform_indices = #map}, {transform_indices = #map}]} {
    %mul3A = arith.constant 2 : i32
    %mul3A_0 = arith.muli %arg1, %mul3A : i32
    %add3A = arith.addi %mul3A_0, %arg0 : i32
    %mul3A_1 = arith.constant 800 : i32
    %mul3A_2 = arith.muli %add3A, %mul3A_1 : i32
    %multiple_of3A = tpu.assume_multiple %mul3A_2, 8 : i32
    "tpu.region"() ({
      %run_scoped3A = tpu.sem_alloc : memref<!tpu.dma_semaphore, #tpu.memory_space<semaphore_mem>>
      %dma_start3A = tpu.memref_slice %arg4[%multiple_of3A] : memref<25600xi32, #tpu.memory_space<hbm>> -> memref<800xi32, #tpu.memory_space<hbm>>
      %dma_start3A_9 = tpu.memref_slice %arg4[%multiple_of3A] : memref<25600xi32, #tpu.memory_space<hbm>> -> memref<800xi32, #tpu.memory_space<hbm>>
      tpu.enqueue_dma source(%dma_start3A_9 : memref<800xi32, #tpu.memory_space<hbm>>) target(%arg7 : memref<800xi32, #tpu.memory_space<vmem>>) target_semaphore(%run_scoped3A : memref<!tpu.dma_semaphore, #tpu.memory_space<semaphore_mem>>)
      %dma_wait3A = tpu.memref_slice %arg4[%multiple_of3A] : memref<25600xi32, #tpu.memory_space<hbm>> -> memref<800xi32, #tpu.memory_space<hbm>>
      %dma_wait3A_10 = tpu.memref_slice %arg4[%multiple_of3A] : memref<25600xi32, #tpu.memory_space<hbm>> -> memref<800xi32, #tpu.memory_space<hbm>>
      tpu.wait_dma2 semaphore(%run_scoped3A : memref<!tpu.dma_semaphore, #tpu.memory_space<semaphore_mem>>) src(%dma_wait3A_10 : memref<800xi32, #tpu.memory_space<hbm>>) dst(%arg7 : memref<800xi32, #tpu.memory_space<vmem>>)
      tpu.yield
    }) : () -> ()
    %scan3A = arith.constant 0 : i32
    %scan3A_3 = arith.constant 0 : i32
    %scan3A_4 = arith.constant 10 : i32
    %scan3A_5 = arith.addi %scan3A_3, %scan3A_4 : i32
    %scan3A_6 = arith.constant 1 : i32
    %scan3A_7 = scf.for %scan3A_9 = %scan3A_3 to %scan3A_5 step %scan3A_6 iter_args(%scan3A_10 = %scan3A) -> (i32)  : i32 {
      %mul3A_11 = arith.constant 80 : i32
      %mul3A_12 = arith.muli %scan3A_9, %mul3A_11 : i32
      %multiple_of3A_13 = tpu.assume_multiple %mul3A_12, 8 : i32
      %dma_start3A = tpu.memref_slice %arg7[%multiple_of3A_13] : memref<800xi32, #tpu.memory_space<vmem>> -> memref<80xi32, #tpu.memory_space<vmem>>
      %dma_start3A_14 = arith.constant 0 : i32
      %dma_start3A_15 = arith.constant 0 : i32
      %dma_start3A_16 = tpu.memref_slice %arg2[%dma_start3A_14, %dma_start3A_15] : memref<100001x300xf32, #tpu.memory_space<hbm>> -> memref<100001x256xf32, #tpu.memory_space<hbm>>
      %dma_start3A_17 = arith.constant 0 : i32
      %dma_start3A_18 = arith.constant 0 : i32
      %dma_start3A_19 = tpu.memref_slice %dma_start3A_16[%dma_start3A_17, %dma_start3A_18] : memref<100001x256xf32, #tpu.memory_space<hbm>> -> memref<100001x256xf32, #tpu.memory_space<hbm>>
      tpu.enqueue_indirect_dma source(%dma_start3A_19 : memref<100001x256xf32, #tpu.memory_space<hbm>>) target(%arg8 : memref<80x256xf32, #tpu.memory_space<vmem>>) offsets(%dma_start3A : memref<80xi32, #tpu.memory_space<vmem>>) semaphore(%arg10 : memref<!tpu.dma_semaphore, #tpu.memory_space<semaphore_mem>>)
      %dma_start3A_20 = tpu.memref_slice %arg7[%multiple_of3A_13] : memref<800xi32, #tpu.memory_space<vmem>> -> memref<80xi32, #tpu.memory_space<vmem>>
      %dma_start3A_21 = arith.constant 0 : i32
      %dma_start3A_22 = arith.constant 0 : i32
      %dma_start3A_23 = tpu.memref_slice %arg3[%dma_start3A_21, %dma_start3A_22] : memref<100001x128xf32, #tpu.memory_space<hbm>> -> memref<100001x128xf32, #tpu.memory_space<hbm>>
      tpu.enqueue_indirect_dma source(%dma_start3A_23 : memref<100001x128xf32, #tpu.memory_space<hbm>>) target(%arg9 : memref<80x128xf32, #tpu.memory_space<vmem>>) offsets(%dma_start3A_20 : memref<80xi32, #tpu.memory_space<vmem>>) semaphore(%arg11 : memref<!tpu.dma_semaphore, #tpu.memory_space<semaphore_mem>>)
      %dma_wait3A = tpu.memref_slice %arg7[%multiple_of3A_13] : memref<800xi32, #tpu.memory_space<vmem>> -> memref<80xi32, #tpu.memory_space<vmem>>
      %dma_wait3A_24 = arith.constant 0 : i32
      %dma_wait3A_25 = arith.constant 0 : i32
      %dma_wait3A_26 = tpu.memref_slice %arg2[%dma_wait3A_24, %dma_wait3A_25] : memref<100001x300xf32, #tpu.memory_space<hbm>> -> memref<100001x256xf32, #tpu.memory_space<hbm>>
      %dma_wait3A_27 = arith.constant 0 : i32
      %dma_wait3A_28 = arith.constant 0 : i32
      %dma_wait3A_29 = tpu.memref_slice %dma_wait3A_26[%dma_wait3A_27, %dma_wait3A_28] : memref<100001x256xf32, #tpu.memory_space<hbm>> -> memref<100001x256xf32, #tpu.memory_space<hbm>>
      tpu.wait_indirect_dma semaphore(%arg10 : memref<!tpu.dma_semaphore, #tpu.memory_space<semaphore_mem>>) src(%dma_wait3A_29 : memref<100001x256xf32, #tpu.memory_space<hbm>>) dst(%arg8 : memref<80x256xf32, #tpu.memory_space<vmem>>)
      %dma_wait3A_30 = tpu.memref_slice %arg7[%multiple_of3A_13] : memref<800xi32, #tpu.memory_space<vmem>> -> memref<80xi32, #tpu.memory_space<vmem>>
      %dma_wait3A_31 = arith.constant 0 : i32
      %dma_wait3A_32 = arith.constant 0 : i32
      %dma_wait3A_33 = tpu.memref_slice %arg3[%dma_wait3A_31, %dma_wait3A_32] : memref<100001x128xf32, #tpu.memory_space<hbm>> -> memref<100001x128xf32, #tpu.memory_space<hbm>>
      tpu.wait_indirect_dma semaphore(%arg11 : memref<!tpu.dma_semaphore, #tpu.memory_space<semaphore_mem>>) src(%dma_wait3A_33 : memref<100001x128xf32, #tpu.memory_space<hbm>>) dst(%arg9 : memref<80x128xf32, #tpu.memory_space<vmem>>)
      %add3A_34 = arith.addi %multiple_of3A, %multiple_of3A_13 : i32
      "tpu.region"() ({
        %run_scoped3A = tpu.sem_alloc : memref<!tpu.dma_semaphore, #tpu.memory_space<semaphore_mem>>
        %dma_start3A_37 = arith.constant 0 : i32
        %dma_start3A_38 = tpu.memref_slice %arg5[%add3A_34, %dma_start3A_37] : memref<25600x256xf32, #tpu.memory_space<hbm>> -> memref<80x256xf32, #tpu.memory_space<hbm>>
        %dma_start3A_39 = arith.constant 0 : i32
        %dma_start3A_40 = tpu.memref_slice %arg5[%add3A_34, %dma_start3A_39] : memref<25600x256xf32, #tpu.memory_space<hbm>> -> memref<80x256xf32, #tpu.memory_space<hbm>>
        tpu.enqueue_dma source(%arg8 : memref<80x256xf32, #tpu.memory_space<vmem>>) target(%dma_start3A_40 : memref<80x256xf32, #tpu.memory_space<hbm>>) target_semaphore(%run_scoped3A : memref<!tpu.dma_semaphore, #tpu.memory_space<semaphore_mem>>)
        %dma_wait3A_41 = arith.constant 0 : i32
        %dma_wait3A_42 = tpu.memref_slice %arg5[%add3A_34, %dma_wait3A_41] : memref<25600x256xf32, #tpu.memory_space<hbm>> -> memref<80x256xf32, #tpu.memory_space<hbm>>
        %dma_wait3A_43 = arith.constant 0 : i32
        %dma_wait3A_44 = tpu.memref_slice %arg5[%add3A_34, %dma_wait3A_43] : memref<25600x256xf32, #tpu.memory_space<hbm>> -> memref<80x256xf32, #tpu.memory_space<hbm>>
        tpu.wait_dma2 semaphore(%run_scoped3A : memref<!tpu.dma_semaphore, #tpu.memory_space<semaphore_mem>>) src(%arg8 : memref<80x256xf32, #tpu.memory_space<vmem>>) dst(%dma_wait3A_44 : memref<80x256xf32, #tpu.memory_space<hbm>>)
        tpu.yield
      }) : () -> ()
      %add3A_35 = arith.addi %multiple_of3A, %multiple_of3A_13 : i32
      "tpu.region"() ({
        %run_scoped3A = tpu.sem_alloc : memref<!tpu.dma_semaphore, #tpu.memory_space<semaphore_mem>>
        %dma_start3A_37 = arith.constant 0 : i32
        %dma_start3A_38 = tpu.memref_slice %arg6[%add3A_35, %dma_start3A_37] : memref<25600x128xf32, #tpu.memory_space<hbm>> -> memref<80x128xf32, #tpu.memory_space<hbm>>
        %dma_start3A_39 = arith.constant 0 : i32
        %dma_start3A_40 = tpu.memref_slice %arg6[%add3A_35, %dma_start3A_39] : memref<25600x128xf32, #tpu.memory_space<hbm>> -> memref<80x128xf32, #tpu.memory_space<hbm>>
        tpu.enqueue_dma source(%arg9 : memref<80x128xf32, #tpu.memory_space<vmem>>) target(%dma_start3A_40 : memref<80x128xf32, #tpu.memory_space<hbm>>) target_semaphore(%run_scoped3A : memref<!tpu.dma_semaphore, #tpu.memory_space<semaphore_mem>>)
        %dma_wait3A_41 = arith.constant 0 : i32
        %dma_wait3A_42 = tpu.memref_slice %arg6[%add3A_35, %dma_wait3A_41] : memref<25600x128xf32, #tpu.memory_space<hbm>> -> memref<80x128xf32, #tpu.memory_space<hbm>>
        %dma_wait3A_43 = arith.constant 0 : i32
        %dma_wait3A_44 = tpu.memref_slice %arg6[%add3A_35, %dma_wait3A_43] : memref<25600x128xf32, #tpu.memory_space<hbm>> -> memref<80x128xf32, #tpu.memory_space<hbm>>
        tpu.wait_dma2 semaphore(%run_scoped3A : memref<!tpu.dma_semaphore, #tpu.memory_space<semaphore_mem>>) src(%arg9 : memref<80x128xf32, #tpu.memory_space<vmem>>) dst(%dma_wait3A_44 : memref<80x128xf32, #tpu.memory_space<hbm>>)
        tpu.yield
      }) : () -> ()
      %scan3A_36 = arith.constant 0 : i32
      scf.yield %scan3A_36 : i32
    }
    %scan3A_8 = arith.constant 10 : i32
    return
  }
}

#map = affine_map<(d0, d1) -> (0, 0)>
#map1 = affine_map<(d0, d1) -> (0)>
module attributes {stable_mosaic.version = 14 : i64} {
  func.func @gather_kernel(%arg0: i32, %arg1: i32, %arg2: memref<100001x300xf32, #tpu.memory_space<hbm>>, %arg3: memref<100001x128xf32, #tpu.memory_space<hbm>>, %arg4: memref<25600xi32, #tpu.memory_space<hbm>>, %arg5: memref<25600x256xf32, #tpu.memory_space<hbm>>, %arg6: memref<25600x128xf32, #tpu.memory_space<hbm>>, %arg7: memref<800xi32, #tpu.memory_space<vmem>>, %arg8: memref<80x256xf32, #tpu.memory_space<vmem>>, %arg9: memref<80x128xf32, #tpu.memory_space<vmem>>, %arg10: memref<!tpu.dma_semaphore, #tpu.memory_space<semaphore_mem>>, %arg11: memref<!tpu.dma_semaphore, #tpu.memory_space<semaphore_mem>>) attributes {dimension_semantics = [#tpu.dimension_semantics<core_parallel>, #tpu.dimension_semantics<subcore_parallel>], iteration_bounds = array<i64: 2, 16>, scalar_prefetch = 0 : i64, scratch_operands = 5 : i64, tpu.core_type = #tpu.core_type<sc_vector_subcore>, window_params = [{transform_indices = #map}, {transform_indices = #map}, {transform_indices = #map1}, {transform_indices = #map}, {transform_indices = #map}]} {
    %mul3A = arith.constant 2 : i32
    %mul3A_0 = arith.muli %arg1, %mul3A : i32
    %add3A = arith.addi %mul3A_0, %arg0 : i32
    %mul3A_1 = arith.constant 800 : i32
    %mul3A_2 = arith.muli %add3A, %mul3A_1 : i32
    %multiple_of3A = tpu.assume_multiple %mul3A_2, 8 : i32
    "tpu.region"() ({
      %run_scoped3A = tpu.sem_alloc : memref<!tpu.dma_semaphore, #tpu.memory_space<semaphore_mem>>
      %dma_start3A = tpu.memref_slice %arg4[%multiple_of3A] : memref<25600xi32, #tpu.memory_space<hbm>> -> memref<800xi32, #tpu.memory_space<hbm>>
      %dma_start3A_9 = tpu.memref_slice %arg4[%multiple_of3A] : memref<25600xi32, #tpu.memory_space<hbm>> -> memref<800xi32, #tpu.memory_space<hbm>>
      tpu.enqueue_dma source(%dma_start3A_9 : memref<800xi32, #tpu.memory_space<hbm>>) target(%arg7 : memref<800xi32, #tpu.memory_space<vmem>>) target_semaphore(%run_scoped3A : memref<!tpu.dma_semaphore, #tpu.memory_space<semaphore_mem>>)
      %dma_wait3A = tpu.memref_slice %arg4[%multiple_of3A] : memref<25600xi32, #tpu.memory_space<hbm>> -> memref<800xi32, #tpu.memory_space<hbm>>
      %dma_wait3A_10 = tpu.memref_slice %arg4[%multiple_of3A] : memref<25600xi32, #tpu.memory_space<hbm>> -> memref<800xi32, #tpu.memory_space<hbm>>
      tpu.wait_dma2 semaphore(%run_scoped3A : memref<!tpu.dma_semaphore, #tpu.memory_space<semaphore_mem>>) src(%dma_wait3A_10 : memref<800xi32, #tpu.memory_space<hbm>>) dst(%arg7 : memref<800xi32, #tpu.memory_space<vmem>>)
      tpu.yield
    }) : () -> ()
    %scan3A = arith.constant 0 : i32
    %scan3A_3 = arith.constant 0 : i32
    %scan3A_4 = arith.constant 10 : i32
    %scan3A_5 = arith.addi %scan3A_3, %scan3A_4 : i32
    %scan3A_6 = arith.constant 1 : i32
    %scan3A_7 = scf.for %scan3A_9 = %scan3A_3 to %scan3A_5 step %scan3A_6 iter_args(%scan3A_10 = %scan3A) -> (i32)  : i32 {
      %mul3A_11 = arith.constant 80 : i32
      %mul3A_12 = arith.muli %scan3A_9, %mul3A_11 : i32
      %multiple_of3A_13 = tpu.assume_multiple %mul3A_12, 8 : i32
      %dma_start3A = tpu.memref_slice %arg7[%multiple_of3A_13] : memref<800xi32, #tpu.memory_space<vmem>> -> memref<80xi32, #tpu.memory_space<vmem>>
      %dma_start3A_14 = arith.constant 0 : i32
      %dma_start3A_15 = arith.constant 0 : i32
      %dma_start3A_16 = tpu.memref_slice %arg2[%dma_start3A_14, %dma_start3A_15] : memref<100001x300xf32, #tpu.memory_space<hbm>> -> memref<100001x256xf32, #tpu.memory_space<hbm>>
      %dma_start3A_17 = arith.constant 0 : i32
      %dma_start3A_18 = arith.constant 0 : i32
      %dma_start3A_19 = tpu.memref_slice %dma_start3A_16[%dma_start3A_17, %dma_start3A_18] : memref<100001x256xf32, #tpu.memory_space<hbm>> -> memref<100001x256xf32, #tpu.memory_space<hbm>>
      tpu.enqueue_indirect_dma source(%dma_start3A_19 : memref<100001x256xf32, #tpu.memory_space<hbm>>) target(%arg8 : memref<80x256xf32, #tpu.memory_space<vmem>>) offsets(%dma_start3A : memref<80xi32, #tpu.memory_space<vmem>>) semaphore(%arg10 : memref<!tpu.dma_semaphore, #tpu.memory_space<semaphore_mem>>)
      %dma_start3A_20 = tpu.memref_slice %arg7[%multiple_of3A_13] : memref<800xi32, #tpu.memory_space<vmem>> -> memref<80xi32, #tpu.memory_space<vmem>>
      %dma_start3A_21 = arith.constant 0 : i32
      %dma_start3A_22 = arith.constant 0 : i32
      %dma_start3A_23 = tpu.memref_slice %arg3[%dma_start3A_21, %dma_start3A_22] : memref<100001x128xf32, #tpu.memory_space<hbm>> -> memref<100001x128xf32, #tpu.memory_space<hbm>>
      tpu.enqueue_indirect_dma source(%dma_start3A_23 : memref<100001x128xf32, #tpu.memory_space<hbm>>) target(%arg9 : memref<80x128xf32, #tpu.memory_space<vmem>>) offsets(%dma_start3A_20 : memref<80xi32, #tpu.memory_space<vmem>>) semaphore(%arg11 : memref<!tpu.dma_semaphore, #tpu.memory_space<semaphore_mem>>)
      %dma_wait3A = tpu.memref_slice %arg7[%multiple_of3A_13] : memref<800xi32, #tpu.memory_space<vmem>> -> memref<80xi32, #tpu.memory_space<vmem>>
      %dma_wait3A_24 = arith.constant 0 : i32
      %dma_wait3A_25 = arith.constant 0 : i32
      %dma_wait3A_26 = tpu.memref_slice %arg2[%dma_wait3A_24, %dma_wait3A_25] : memref<100001x300xf32, #tpu.memory_space<hbm>> -> memref<100001x256xf32, #tpu.memory_space<hbm>>
      %dma_wait3A_27 = arith.constant 0 : i32
      %dma_wait3A_28 = arith.constant 0 : i32
      %dma_wait3A_29 = tpu.memref_slice %dma_wait3A_26[%dma_wait3A_27, %dma_wait3A_28] : memref<100001x256xf32, #tpu.memory_space<hbm>> -> memref<100001x256xf32, #tpu.memory_space<hbm>>
      tpu.wait_indirect_dma semaphore(%arg10 : memref<!tpu.dma_semaphore, #tpu.memory_space<semaphore_mem>>) src(%dma_wait3A_29 : memref<100001x256xf32, #tpu.memory_space<hbm>>) dst(%arg8 : memref<80x256xf32, #tpu.memory_space<vmem>>)
      %dma_wait3A_30 = tpu.memref_slice %arg7[%multiple_of3A_13] : memref<800xi32, #tpu.memory_space<vmem>> -> memref<80xi32, #tpu.memory_space<vmem>>
      %dma_wait3A_31 = arith.constant 0 : i32
      %dma_wait3A_32 = arith.constant 0 : i32
      %dma_wait3A_33 = tpu.memref_slice %arg3[%dma_wait3A_31, %dma_wait3A_32] : memref<100001x128xf32, #tpu.memory_space<hbm>> -> memref<100001x128xf32, #tpu.memory_space<hbm>>
      tpu.wait_indirect_dma semaphore(%arg11 : memref<!tpu.dma_semaphore, #tpu.memory_space<semaphore_mem>>) src(%dma_wait3A_33 : memref<100001x128xf32, #tpu.memory_space<hbm>>) dst(%arg9 : memref<80x128xf32, #tpu.memory_space<vmem>>)
      %add3A_34 = arith.addi %multiple_of3A, %multiple_of3A_13 : i32
      "tpu.region"() ({
        %run_scoped3A = tpu.sem_alloc : memref<!tpu.dma_semaphore, #tpu.memory_space<semaphore_mem>>
        %dma_start3A_37 = arith.constant 0 : i32
        %dma_start3A_38 = tpu.memref_slice %arg5[%add3A_34, %dma_start3A_37] : memref<25600x256xf32, #tpu.memory_space<hbm>> -> memref<80x256xf32, #tpu.memory_space<hbm>>
        %dma_start3A_39 = arith.constant 0 : i32
        %dma_start3A_40 = tpu.memref_slice %arg5[%add3A_34, %dma_start3A_39] : memref<25600x256xf32, #tpu.memory_space<hbm>> -> memref<80x256xf32, #tpu.memory_space<hbm>>
        tpu.enqueue_dma source(%arg8 : memref<80x256xf32, #tpu.memory_space<vmem>>) target(%dma_start3A_40 : memref<80x256xf32, #tpu.memory_space<hbm>>) target_semaphore(%run_scoped3A : memref<!tpu.dma_semaphore, #tpu.memory_space<semaphore_mem>>)
        %dma_wait3A_41 = arith.constant 0 : i32
        %dma_wait3A_42 = tpu.memref_slice %arg5[%add3A_34, %dma_wait3A_41] : memref<25600x256xf32, #tpu.memory_space<hbm>> -> memref<80x256xf32, #tpu.memory_space<hbm>>
        %dma_wait3A_43 = arith.constant 0 : i32
        %dma_wait3A_44 = tpu.memref_slice %arg5[%add3A_34, %dma_wait3A_43] : memref<25600x256xf32, #tpu.memory_space<hbm>> -> memref<80x256xf32, #tpu.memory_space<hbm>>
        tpu.wait_dma2 semaphore(%run_scoped3A : memref<!tpu.dma_semaphore, #tpu.memory_space<semaphore_mem>>) src(%arg8 : memref<80x256xf32, #tpu.memory_space<vmem>>) dst(%dma_wait3A_44 : memref<80x256xf32, #tpu.memory_space<hbm>>)
        tpu.yield
      }) : () -> ()
      %add3A_35 = arith.addi %multiple_of3A, %multiple_of3A_13 : i32
      "tpu.region"() ({
        %run_scoped3A = tpu.sem_alloc : memref<!tpu.dma_semaphore, #tpu.memory_space<semaphore_mem>>
        %dma_start3A_37 = arith.constant 0 : i32
        %dma_start3A_38 = tpu.memref_slice %arg6[%add3A_35, %dma_start3A_37] : memref<25600x128xf32, #tpu.memory_space<hbm>> -> memref<80x128xf32, #tpu.memory_space<hbm>>
        %dma_start3A_39 = arith.constant 0 : i32
        %dma_start3A_40 = tpu.memref_slice %arg6[%add3A_35, %dma_start3A_39] : memref<25600x128xf32, #tpu.memory_space<hbm>> -> memref<80x128xf32, #tpu.memory_space<hbm>>
        tpu.enqueue_dma source(%arg9 : memref<80x128xf32, #tpu.memory_space<vmem>>) target(%dma_start3A_40 : memref<80x128xf32, #tpu.memory_space<hbm>>) target_semaphore(%run_scoped3A : memref<!tpu.dma_semaphore, #tpu.memory_space<semaphore_mem>>)
        %dma_wait3A_41 = arith.constant 0 : i32
        %dma_wait3A_42 = tpu.memref_slice %arg6[%add3A_35, %dma_wait3A_41] : memref<25600x128xf32, #tpu.memory_space<hbm>> -> memref<80x128xf32, #tpu.memory_space<hbm>>
        %dma_wait3A_43 = arith.constant 0 : i32
        %dma_wait3A_44 = tpu.memref_slice %arg6[%add3A_35, %dma_wait3A_43] : memref<25600x128xf32, #tpu.memory_space<hbm>> -> memref<80x128xf32, #tpu.memory_space<hbm>>
        tpu.wait_dma2 semaphore(%run_scoped3A : memref<!tpu.dma_semaphore, #tpu.memory_space<semaphore_mem>>) src(%arg9 : memref<80x128xf32, #tpu.memory_space<vmem>>) dst(%dma_wait3A_44 : memref<80x128xf32, #tpu.memory_space<hbm>>)
        tpu.yield
      }) : () -> ()
      %scan3A_36 = arith.constant 0 : i32
      scf.yield %scan3A_36 : i32
    }
    %scan3A_8 = arith.constant 10 : i32
    return
  }
}

module attributes {stable_mosaic.version = 14 : i64} {
  func.func @_tail_body(%arg0: i32, %arg1: memref<2048x300xf32, #tpu.memory_space<vmem>>, %arg2: memref<2048x128xf32, #tpu.memory_space<vmem>>) attributes {dimension_semantics = [#tpu.dimension_semantics<arbitrary>], iteration_bounds = array<i64: 49>, scalar_prefetch = 0 : i64, scratch_operands = 0 : i64, tpu.core_type = #tpu.core_type<tc>, window_params = [{transform_indices = @transform_0, window_bounds = array<i64: 2048, 300>}, {transform_indices = @transform_1, window_bounds = array<i64: 2048, 128>}]} {
    %get3A = arith.constant 0 : index
    %get3A_0 = arith.constant 256 : index
    %get3A_1 = vector.load %arg1[%get3A, %get3A_0] : memref<2048x300xf32, #tpu.memory_space<vmem>>, vector<2048x44xf32>
    %swap3A = arith.constant 0 : index
    %swap3A_2 = arith.constant 0 : index
    %swap3A_3 = vector.load %arg2[%swap3A, %swap3A_2] : memref<2048x128xf32, #tpu.memory_space<vmem>>, vector<2048x44xf32>
    tpu.vector_store %arg2[%swap3A, %swap3A_2], %get3A_1 {strides = array<i32>} : memref<2048x128xf32, #tpu.memory_space<vmem>>, vector<2048x44xf32>,
    %broadcast_in_dim3A = arith.constant 0.000000e+00 : f32
    %broadcast_in_dim3A_4 = vector.broadcast %broadcast_in_dim3A : f32 to vector<2048x84xf32>
    %swap3A_5 = arith.constant 0 : index
    %swap3A_6 = arith.constant 44 : index
    %swap3A_7 = vector.load %arg2[%swap3A_5, %swap3A_6] : memref<2048x128xf32, #tpu.memory_space<vmem>>, vector<2048x84xf32>
    tpu.vector_store %arg2[%swap3A_5, %swap3A_6], %broadcast_in_dim3A_4 {strides = array<i32>} : memref<2048x128xf32, #tpu.memory_space<vmem>>, vector<2048x84xf32>,
    return
  }
  func.func @transform_0(%arg0: i32) -> (i32, i32) {
    %c0_i32 = arith.constant 0 : i32
    %c0_i32_0 = arith.constant 0 : i32
    return %arg0, %c0_i32 : i32, i32
  }
  func.func @transform_1(%arg0: i32) -> (i32, i32) {
    %c0_i32 = arith.constant 0 : i32
    %c0_i32_0 = arith.constant 0 : i32
    return %arg0, %c0_i32 : i32, i32
  }
}

module attributes {stable_mosaic.version = 14 : i64} {
  func.func @_attn_body(%arg0: i32, %arg1: memref<400x256xf32, #tpu.memory_space<vmem>>, %arg2: memref<400x128xf32, #tpu.memory_space<vmem>>, %arg3: memref<256x1152xbf16, #tpu.memory_space<vmem>>, %arg4: memref<128x1152xbf16, #tpu.memory_space<vmem>>, %arg5: memref<1x1152xf32, #tpu.memory_space<vmem>>, %arg6: memref<300x768xbf16, #tpu.memory_space<vmem>>, %arg7: memref<1x768xf32, #tpu.memory_space<vmem>>, %arg8: memref<300x384xbf16, #tpu.memory_space<vmem>>, %arg9: memref<1x384xf32, #tpu.memory_space<vmem>>, %arg10: memref<300x300xbf16, #tpu.memory_space<vmem>>, %arg11: memref<1x300xf32, #tpu.memory_space<vmem>>, %arg12: memref<300x4xbf16, #tpu.memory_space<vmem>>, %arg13: memref<1x4xf32, #tpu.memory_space<vmem>>, %arg14: memref<400x400xf32, #tpu.memory_space<vmem>>, %arg15: memref<40x400xf32, #tpu.memory_space<vmem>>, %arg16: memref<1x8x4xf32, #tpu.memory_space<vmem>>) attributes {dimension_semantics = [#tpu.dimension_semantics<arbitrary>], iteration_bounds = array<i64: 64>, scalar_prefetch = 0 : i64, scratch_operands = 0 : i64, tpu.core_type = #tpu.core_type<tc>, window_params = [{transform_indices = @transform_0, window_bounds = array<i64: 400, 256>}, {transform_indices = @transform_1, window_bounds = array<i64: 400, 128>}, {pipeline_mode = #tpu.pipeline_mode<synchronous>, transform_indices = @transform_2, window_bounds = array<i64: 256, 1152>}, {pipeline_mode = #tpu.pipeline_mode<synchronous>, transform_indices = @transform_3, window_bounds = array<i64: 128, 1152>}, {pipeline_mode = #tpu.pipeline_mode<synchronous>, transform_indices = @transform_4, window_bounds = array<i64: 1, 1152>}, {pipeline_mode = #tpu.pipeline_mode<synchronous>, transform_indices = @transform_5, window_bounds = array<i64: 300, 768>}, {pipeline_mode = #tpu.pipeline_mode<synchronous>, transform_indices = @transform_6, window_bounds = array<i64: 1, 768>}, {pipeline_mode = #tpu.pipeline_mode<synchronous>, transform_indices = @transform_7, window_bounds = array<i64: 300, 384>}, {pipeline_mode = #tpu.pipeline_mode<synchronous>, transform_indices = @transform_8, window_bounds = array<i64: 1, 384>}, {pipeline_mode = #tpu.pipeline_mode<synchronous>, transform_indices = @transform_9, window_bounds = array<i64: 300, 300>}, {pipeline_mode = #tpu.pipeline_mode<synchronous>, transform_indices = @transform_10, window_bounds = array<i64: 1, 300>}, {pipeline_mode = #tpu.pipeline_mode<synchronous>, transform_indices = @transform_11, window_bounds = array<i64: 300, 4>}, {pipeline_mode = #tpu.pipeline_mode<synchronous>, transform_indices = @transform_12, window_bounds = array<i64: 1, 4>}, {pipeline_mode = #tpu.pipeline_mode<synchronous>, transform_indices = @transform_13, window_bounds = array<i64: 400, 400>}, {pipeline_mode = #tpu.pipeline_mode<synchronous>, transform_indices = @transform_14, window_bounds = array<i64: 40, 400>}, {transform_indices = @transform_15, window_bounds = array<i64: 1, 8, 4>}]} {
    %get3A = arith.constant 0 : index
    %get3A_0 = arith.constant 0 : index
    %get3A_1 = vector.load %arg14[%get3A, %get3A_0] : memref<400x400xf32, #tpu.memory_space<vmem>>, vector<400x400xf32>
    %get3A_2 = arith.constant 0 : index
    %get3A_3 = arith.constant 0 : index
    %get3A_4 = vector.load %arg15[%get3A_2, %get3A_3] : memref<40x400xf32, #tpu.memory_space<vmem>>, vector<40x400xf32>
    %get3A_5 = arith.constant 0 : index
    %get3A_6 = arith.constant 0 : index
    %get3A_7 = vector.load %arg1[%get3A_5, %get3A_6] : memref<400x256xf32, #tpu.memory_space<vmem>>, vector<400x256xf32>
    %convert_element_type3A = arith.truncf %get3A_7 : vector<400x256xf32> to vector<400x256xbf16>
    %get3A_8 = arith.constant 0 : index
    %get3A_9 = arith.constant 0 : index
    %get3A_10 = vector.load %arg2[%get3A_8, %get3A_9] : memref<400x128xf32, #tpu.memory_space<vmem>>, vector<400x128xf32>
    %convert_element_type3A_11 = arith.truncf %get3A_10 : vector<400x128xf32> to vector<400x128xbf16>
    %get3A_12 = arith.constant 0 : index
    %get3A_13 = arith.constant 0 : index
    %get3A_14 = vector.load %arg3[%get3A_12, %get3A_13] : memref<256x1152xbf16, #tpu.memory_space<vmem>>, vector<256x1152xbf16>
    %dot_general3A = arith.constant dense<0.000000e+00> : vector<400x1152xf32>
    %dot_general3A_15 = tpu.matmul %convert_element_type3A, %get3A_14, %dot_general3A {dimension_numbers = #tpu.dot_dimension_numbers<[1], [0], [0], [1], [0, 0, 1, 1], [], []>, transpose_lhs_hint = false} : vector<400x256xbf16>, vector<256x1152xbf16>, vector<400x1152xf32> -> vector<400x1152xf32>
    %get3A_16 = arith.constant 0 : index
    %get3A_17 = arith.constant 0 : index
    %get3A_18 = vector.load %arg4[%get3A_16, %get3A_17] : memref<128x1152xbf16, #tpu.memory_space<vmem>>, vector<128x1152xbf16>
    %dot_general3A_19 = arith.constant dense<0.000000e+00> : vector<400x1152xf32>
    %dot_general3A_20 = tpu.matmul %convert_element_type3A_11, %get3A_18, %dot_general3A_19 {dimension_numbers = #tpu.dot_dimension_numbers<[1], [0], [0], [1], [0, 0, 1, 1], [], []>, transpose_lhs_hint = false} : vector<400x128xbf16>, vector<128x1152xbf16>, vector<400x1152xf32> -> vector<400x1152xf32>
    %add3A = arith.addf %dot_general3A_15, %dot_general3A_20 : vector<400x1152xf32>
    %get3A_21 = arith.constant 0 : index
    %get3A_22 = arith.constant 0 : index
    %get3A_23 = vector.load %arg5[%get3A_21, %get3A_22] : memref<1x1152xf32, #tpu.memory_space<vmem>>, vector<1x1152xf32>
    %add3A_24 = vector.broadcast %get3A_23 : vector<1x1152xf32> to vector<400x1152xf32>
    %add3A_25 = arith.addf %add3A, %add3A_24 : vector<400x1152xf32>
    %slice3A = vector.extract_strided_slice %add3A_25 {offsets = [0, 0], sizes = [400, 384], strides = [1, 1]} : vector<400x1152xf32> to vector<400x384xf32>
    %mul3A = arith.constant 0.129099444 : f32
    %mul3A_26 = vector.broadcast %mul3A : f32 to vector<400x384xf32>
    %mul3A_27 = arith.mulf %slice3A, %mul3A_26 : vector<400x384xf32>
    %convert_element_type3A_28 = arith.truncf %mul3A_27 : vector<400x384xf32> to vector<400x384xbf16>
    %slice3A_29 = vector.extract_strided_slice %add3A_25 {offsets = [0, 384], sizes = [400, 384], strides = [1, 1]} : vector<400x1152xf32> to vector<400x384xf32>
    %convert_element_type3A_30 = arith.truncf %slice3A_29 : vector<400x384xf32> to vector<400x384xbf16>
    %slice3A_31 = vector.extract_strided_slice %add3A_25 {offsets = [0, 768], sizes = [400, 384], strides = [1, 1]} : vector<400x1152xf32> to vector<400x384xf32>
    %convert_element_type3A_32 = arith.truncf %slice3A_31 : vector<400x384xf32> to vector<400x384xbf16>
    %broadcast_in_dim3A = arith.constant 1.000000e+00 : bf16
    %broadcast_in_dim3A_33 = vector.broadcast %broadcast_in_dim3A : bf16 to vector<400x1xbf16>
    %slice3A_34 = vector.extract_strided_slice %convert_element_type3A_28 {offsets = [0, 0], sizes = [400, 60], strides = [1, 1]} : vector<400x384xbf16> to vector<400x60xbf16>
    %slice3A_35 = vector.extract_strided_slice %convert_element_type3A_30 {offsets = [0, 0], sizes = [400, 60], strides = [1, 1]} : vector<400x384xbf16> to vector<400x60xbf16>
    %dot_general3A_36 = arith.constant dense<0.000000e+00> : vector<400x400xf32>
    %dot_general3A_37 = tpu.matmul %slice3A_34, %slice3A_35, %dot_general3A_36 {dimension_numbers = #tpu.dot_dimension_numbers<[1], [1], [0], [0], [0, 0, 1, 0], [], []>, transpose_lhs_hint = false} : vector<400x60xbf16>, vector<400x60xbf16>, vector<400x400xf32> -> vector<400x400xf32>
    %exp3A = math.exp %dot_general3A_37 : vector<400x400xf32>
    %mul3A_38 = arith.mulf %exp3A, %get3A_1 : vector<400x400xf32>
    %convert_element_type3A_39 = arith.truncf %mul3A_38 : vector<400x400xf32> to vector<400x400xbf16>
    %slice3A_40 = vector.extract_strided_slice %convert_element_type3A_32 {offsets = [0, 0], sizes = [400, 60], strides = [1, 1]} : vector<400x384xbf16> to vector<400x60xbf16>
    %concatenate3A = tpu.concatenate %slice3A_40, %broadcast_in_dim3A_33 in 1 : vector<400x60xbf16>, vector<400x1xbf16> -> vector<400x61xbf16>
    %dot_general3A_41 = arith.constant dense<0.000000e+00> : vector<400x61xf32>
    %dot_general3A_42 = tpu.matmul %convert_element_type3A_39, %concatenate3A, %dot_general3A_41 {dimension_numbers = #tpu.dot_dimension_numbers<[1], [0], [0], [1], [0, 0, 1, 1], [], []>, transpose_lhs_hint = false} : vector<400x400xbf16>, vector<400x61xbf16>, vector<400x61xf32> -> vector<400x61xf32>
    %slice3A_43 = vector.extract_strided_slice %dot_general3A_42 {offsets = [0, 0], sizes = [400, 60], strides = [1, 1]} : vector<400x61xf32> to vector<400x60xf32>
    %slice3A_44 = vector.extract_strided_slice %dot_general3A_42 {offsets = [0, 60], sizes = [400, 1], strides = [1, 1]} : vector<400x61xf32> to vector<400x1xf32>
    %div3A = arith.constant 1.000000e+00 : f32
    %div3A_45 = vector.broadcast %div3A : f32 to vector<400x1xf32>
    %div3A_46 = arith.divf %div3A_45, %slice3A_44 : vector<400x1xf32>
    %mul3A_47 = vector.broadcast %div3A_46 : vector<400x1xf32> to vector<400x60xf32>
    %mul3A_48 = arith.mulf %slice3A_43, %mul3A_47 : vector<400x60xf32>
    %slice3A_49 = vector.extract_strided_slice %convert_element_type3A_28 {offsets = [0, 60], sizes = [400, 60], strides = [1, 1]} : vector<400x384xbf16> to vector<400x60xbf16>
    %slice3A_50 = vector.extract_strided_slice %convert_element_type3A_30 {offsets = [0, 60], sizes = [400, 60], strides = [1, 1]} : vector<400x384xbf16> to vector<400x60xbf16>
    %dot_general3A_51 = arith.constant dense<0.000000e+00> : vector<400x400xf32>
    %dot_general3A_52 = tpu.matmul %slice3A_49, %slice3A_50, %dot_general3A_51 {dimension_numbers = #tpu.dot_dimension_numbers<[1], [1], [0], [0], [0, 0, 1, 0], [], []>, transpose_lhs_hint = false} : vector<400x60xbf16>, vector<400x60xbf16>, vector<400x400xf32> -> vector<400x400xf32>
    %exp3A_53 = math.exp %dot_general3A_52 : vector<400x400xf32>
    %mul3A_54 = arith.mulf %exp3A_53, %get3A_1 : vector<400x400xf32>
    %convert_element_type3A_55 = arith.truncf %mul3A_54 : vector<400x400xf32> to vector<400x400xbf16>
    %slice3A_56 = vector.extract_strided_slice %convert_element_type3A_32 {offsets = [0, 60], sizes = [400, 60], strides = [1, 1]} : vector<400x384xbf16> to vector<400x60xbf16>
    %concatenate3A_57 = tpu.concatenate %slice3A_56, %broadcast_in_dim3A_33 in 1 : vector<400x60xbf16>, vector<400x1xbf16> -> vector<400x61xbf16>
    %dot_general3A_58 = arith.constant dense<0.000000e+00> : vector<400x61xf32>
    %dot_general3A_59 = tpu.matmul %convert_element_type3A_55, %concatenate3A_57, %dot_general3A_58 {dimension_numbers = #tpu.dot_dimension_numbers<[1], [0], [0], [1], [0, 0, 1, 1], [], []>, transpose_lhs_hint = false} : vector<400x400xbf16>, vector<400x61xbf16>, vector<400x61xf32> -> vector<400x61xf32>
    %slice3A_60 = vector.extract_strided_slice %dot_general3A_59 {offsets = [0, 0], sizes = [400, 60], strides = [1, 1]} : vector<400x61xf32> to vector<400x60xf32>
    %slice3A_61 = vector.extract_strided_slice %dot_general3A_59 {offsets = [0, 60], sizes = [400, 1], strides = [1, 1]} : vector<400x61xf32> to vector<400x1xf32>
    %div3A_62 = arith.constant 1.000000e+00 : f32
    %div3A_63 = vector.broadcast %div3A_62 : f32 to vector<400x1xf32>
    %div3A_64 = arith.divf %div3A_63, %slice3A_61 : vector<400x1xf32>
    %mul3A_65 = vector.broadcast %div3A_64 : vector<400x1xf32> to vector<400x60xf32>
    %mul3A_66 = arith.mulf %slice3A_60, %mul3A_65 : vector<400x60xf32>
    %slice3A_67 = vector.extract_strided_slice %convert_element_type3A_28 {offsets = [0, 120], sizes = [400, 60], strides = [1, 1]} : vector<400x384xbf16> to vector<400x60xbf16>
    %slice3A_68 = vector.extract_strided_slice %convert_element_type3A_30 {offsets = [0, 120], sizes = [400, 60], strides = [1, 1]} : vector<400x384xbf16> to vector<400x60xbf16>
    %dot_general3A_69 = arith.constant dense<0.000000e+00> : vector<400x400xf32>
    %dot_general3A_70 = tpu.matmul %slice3A_67, %slice3A_68, %dot_general3A_69 {dimension_numbers = #tpu.dot_dimension_numbers<[1], [1], [0], [0], [0, 0, 1, 0], [], []>, transpose_lhs_hint = false} : vector<400x60xbf16>, vector<400x60xbf16>, vector<400x400xf32> -> vector<400x400xf32>
    %exp3A_71 = math.exp %dot_general3A_70 : vector<400x400xf32>
    %mul3A_72 = arith.mulf %exp3A_71, %get3A_1 : vector<400x400xf32>
    %convert_element_type3A_73 = arith.truncf %mul3A_72 : vector<400x400xf32> to vector<400x400xbf16>
    %slice3A_74 = vector.extract_strided_slice %convert_element_type3A_32 {offsets = [0, 120], sizes = [400, 60], strides = [1, 1]} : vector<400x384xbf16> to vector<400x60xbf16>
    %concatenate3A_75 = tpu.concatenate %slice3A_74, %broadcast_in_dim3A_33 in 1 : vector<400x60xbf16>, vector<400x1xbf16> -> vector<400x61xbf16>
    %dot_general3A_76 = arith.constant dense<0.000000e+00> : vector<400x61xf32>
    %dot_general3A_77 = tpu.matmul %convert_element_type3A_73, %concatenate3A_75, %dot_general3A_76 {dimension_numbers = #tpu.dot_dimension_numbers<[1], [0], [0], [1], [0, 0, 1, 1], [], []>, transpose_lhs_hint = false} : vector<400x400xbf16>, vector<400x61xbf16>, vector<400x61xf32> -> vector<400x61xf32>
    %slice3A_78 = vector.extract_strided_slice %dot_general3A_77 {offsets = [0, 0], sizes = [400, 60], strides = [1, 1]} : vector<400x61xf32> to vector<400x60xf32>
    %slice3A_79 = vector.extract_strided_slice %dot_general3A_77 {offsets = [0, 60], sizes = [400, 1], strides = [1, 1]} : vector<400x61xf32> to vector<400x1xf32>
    %div3A_80 = arith.constant 1.000000e+00 : f32
    %div3A_81 = vector.broadcast %div3A_80 : f32 to vector<400x1xf32>
    %div3A_82 = arith.divf %div3A_81, %slice3A_79 : vector<400x1xf32>
    %mul3A_83 = vector.broadcast %div3A_82 : vector<400x1xf32> to vector<400x60xf32>
    %mul3A_84 = arith.mulf %slice3A_78, %mul3A_83 : vector<400x60xf32>
    %slice3A_85 = vector.extract_strided_slice %convert_element_type3A_28 {offsets = [0, 180], sizes = [400, 60], strides = [1, 1]} : vector<400x384xbf16> to vector<400x60xbf16>
    %slice3A_86 = vector.extract_strided_slice %convert_element_type3A_30 {offsets = [0, 180], sizes = [400, 60], strides = [1, 1]} : vector<400x384xbf16> to vector<400x60xbf16>
    %dot_general3A_87 = arith.constant dense<0.000000e+00> : vector<400x400xf32>
    %dot_general3A_88 = tpu.matmul %slice3A_85, %slice3A_86, %dot_general3A_87 {dimension_numbers = #tpu.dot_dimension_numbers<[1], [1], [0], [0], [0, 0, 1, 0], [], []>, transpose_lhs_hint = false} : vector<400x60xbf16>, vector<400x60xbf16>, vector<400x400xf32> -> vector<400x400xf32>
    %exp3A_89 = math.exp %dot_general3A_88 : vector<400x400xf32>
    %mul3A_90 = arith.mulf %exp3A_89, %get3A_1 : vector<400x400xf32>
    %convert_element_type3A_91 = arith.truncf %mul3A_90 : vector<400x400xf32> to vector<400x400xbf16>
    %slice3A_92 = vector.extract_strided_slice %convert_element_type3A_32 {offsets = [0, 180], sizes = [400, 60], strides = [1, 1]} : vector<400x384xbf16> to vector<400x60xbf16>
    %concatenate3A_93 = tpu.concatenate %slice3A_92, %broadcast_in_dim3A_33 in 1 : vector<400x60xbf16>, vector<400x1xbf16> -> vector<400x61xbf16>
    %dot_general3A_94 = arith.constant dense<0.000000e+00> : vector<400x61xf32>
    %dot_general3A_95 = tpu.matmul %convert_element_type3A_91, %concatenate3A_93, %dot_general3A_94 {dimension_numbers = #tpu.dot_dimension_numbers<[1], [0], [0], [1], [0, 0, 1, 1], [], []>, transpose_lhs_hint = false} : vector<400x400xbf16>, vector<400x61xbf16>, vector<400x61xf32> -> vector<400x61xf32>
    %slice3A_96 = vector.extract_strided_slice %dot_general3A_95 {offsets = [0, 0], sizes = [400, 60], strides = [1, 1]} : vector<400x61xf32> to vector<400x60xf32>
    %slice3A_97 = vector.extract_strided_slice %dot_general3A_95 {offsets = [0, 60], sizes = [400, 1], strides = [1, 1]} : vector<400x61xf32> to vector<400x1xf32>
    %div3A_98 = arith.constant 1.000000e+00 : f32
    %div3A_99 = vector.broadcast %div3A_98 : f32 to vector<400x1xf32>
    %div3A_100 = arith.divf %div3A_99, %slice3A_97 : vector<400x1xf32>
    %mul3A_101 = vector.broadcast %div3A_100 : vector<400x1xf32> to vector<400x60xf32>
    %mul3A_102 = arith.mulf %slice3A_96, %mul3A_101 : vector<400x60xf32>
    %slice3A_103 = vector.extract_strided_slice %convert_element_type3A_28 {offsets = [0, 240], sizes = [400, 60], strides = [1, 1]} : vector<400x384xbf16> to vector<400x60xbf16>
    %slice3A_104 = vector.extract_strided_slice %convert_element_type3A_30 {offsets = [0, 240], sizes = [400, 60], strides = [1, 1]} : vector<400x384xbf16> to vector<400x60xbf16>
    %dot_general3A_105 = arith.constant dense<0.000000e+00> : vector<400x400xf32>
    %dot_general3A_106 = tpu.matmul %slice3A_103, %slice3A_104, %dot_general3A_105 {dimension_numbers = #tpu.dot_dimension_numbers<[1], [1], [0], [0], [0, 0, 1, 0], [], []>, transpose_lhs_hint = false} : vector<400x60xbf16>, vector<400x60xbf16>, vector<400x400xf32> -> vector<400x400xf32>
    %exp3A_107 = math.exp %dot_general3A_106 : vector<400x400xf32>
    %mul3A_108 = arith.mulf %exp3A_107, %get3A_1 : vector<400x400xf32>
    %convert_element_type3A_109 = arith.truncf %mul3A_108 : vector<400x400xf32> to vector<400x400xbf16>
    %slice3A_110 = vector.extract_strided_slice %convert_element_type3A_32 {offsets = [0, 240], sizes = [400, 60], strides = [1, 1]} : vector<400x384xbf16> to vector<400x60xbf16>
    %concatenate3A_111 = tpu.concatenate %slice3A_110, %broadcast_in_dim3A_33 in 1 : vector<400x60xbf16>, vector<400x1xbf16> -> vector<400x61xbf16>
    %dot_general3A_112 = arith.constant dense<0.000000e+00> : vector<400x61xf32>
    %dot_general3A_113 = tpu.matmul %convert_element_type3A_109, %concatenate3A_111, %dot_general3A_112 {dimension_numbers = #tpu.dot_dimension_numbers<[1], [0], [0], [1], [0, 0, 1, 1], [], []>, transpose_lhs_hint = false} : vector<400x400xbf16>, vector<400x61xbf16>, vector<400x61xf32> -> vector<400x61xf32>
    %slice3A_114 = vector.extract_strided_slice %dot_general3A_113 {offsets = [0, 0], sizes = [400, 60], strides = [1, 1]} : vector<400x61xf32> to vector<400x60xf32>
    %slice3A_115 = vector.extract_strided_slice %dot_general3A_113 {offsets = [0, 60], sizes = [400, 1], strides = [1, 1]} : vector<400x61xf32> to vector<400x1xf32>
    %div3A_116 = arith.constant 1.000000e+00 : f32
    %div3A_117 = vector.broadcast %div3A_116 : f32 to vector<400x1xf32>
    %div3A_118 = arith.divf %div3A_117, %slice3A_115 : vector<400x1xf32>
    %mul3A_119 = vector.broadcast %div3A_118 : vector<400x1xf32> to vector<400x60xf32>
    %mul3A_120 = arith.mulf %slice3A_114, %mul3A_119 : vector<400x60xf32>
    %concatenate3A_121 = tpu.concatenate %mul3A_48, %mul3A_66, %mul3A_84, %mul3A_102, %mul3A_120 in 1 : vector<400x60xf32>, vector<400x60xf32>, vector<400x60xf32>, vector<400x60xf32>, vector<400x60xf32> -> vector<400x300xf32>
    %convert_element_type3A_122 = arith.truncf %concatenate3A_121 : vector<400x300xf32> to vector<400x300xbf16>
    %get3A_123 = arith.constant 0 : index
    %get3A_124 = arith.constant 0 : index
    %get3A_125 = vector.load %arg6[%get3A_123, %get3A_124] : memref<300x768xbf16, #tpu.memory_space<vmem>>, vector<300x768xbf16>
    %dot_general3A_126 = arith.constant dense<0.000000e+00> : vector<400x768xf32>
    %dot_general3A_127 = tpu.matmul %convert_element_type3A_122, %get3A_125, %dot_general3A_126 {dimension_numbers = #tpu.dot_dimension_numbers<[1], [0], [0], [1], [0, 0, 1, 1], [], []>, transpose_lhs_hint = false} : vector<400x300xbf16>, vector<300x768xbf16>, vector<400x768xf32> -> vector<400x768xf32>
    %get3A_128 = arith.constant 0 : index
    %get3A_129 = arith.constant 0 : index
    %get3A_130 = vector.load %arg7[%get3A_128, %get3A_129] : memref<1x768xf32, #tpu.memory_space<vmem>>, vector<1x768xf32>
    %add3A_131 = vector.broadcast %get3A_130 : vector<1x768xf32> to vector<400x768xf32>
    %add3A_132 = arith.addf %dot_general3A_127, %add3A_131 : vector<400x768xf32>
    %slice3A_133 = vector.extract_strided_slice %add3A_132 {offsets = [0, 0], sizes = [400, 384], strides = [1, 1]} : vector<400x768xf32> to vector<400x384xf32>
    %convert_element_type3A_134 = arith.truncf %slice3A_133 : vector<400x384xf32> to vector<400x384xbf16>
    %iota3A = tpu.iota {dimensions = array<i32: 1>} : vector<1x384xi32>
    %eq3A = arith.constant 300 : i32
    %eq3A_135 = vector.broadcast %eq3A : i32 to vector<1x384xi32>
    %eq3A_136 = arith.cmpi eq, %iota3A, %eq3A_135 : vector<1x384xi32>
    %jit3A = arith.constant 1.000000e+00 : f32
    %jit3A_137 = arith.constant 0.000000e+00 : f32
    %broadcast_in_dim3A_138 = vector.broadcast %jit3A : f32 to vector<1x384xf32>
    %broadcast_in_dim3A_139 = vector.broadcast %jit3A_137 : f32 to vector<1x384xf32>
    %select_n3A = arith.select %eq3A_136, %broadcast_in_dim3A_138, %broadcast_in_dim3A_139 : vector<1x384xi1>, vector<1x384xf32>
    %slice3A_140 = vector.extract_strided_slice %add3A_132 {offsets = [0, 384], sizes = [400, 384], strides = [1, 1]} : vector<400x768xf32> to vector<400x384xf32>
    %add3A_141 = vector.broadcast %select_n3A : vector<1x384xf32> to vector<400x384xf32>
    %add3A_142 = arith.addf %slice3A_140, %add3A_141 : vector<400x384xf32>
    %convert_element_type3A_143 = arith.truncf %add3A_142 : vector<400x384xf32> to vector<400x384xbf16>
    %reshape3A = vector.shape_cast %convert_element_type3A_122 : vector<400x300xbf16> to vector<8x50x300xbf16>
    %slice3A_144 = vector.extract_strided_slice %reshape3A {offsets = [0, 0, 0], sizes = [8, 1, 300], strides = [1, 1, 1]} : vector<8x50x300xbf16> to vector<8x1x300xbf16>
    %squeeze3A = vector.shape_cast %slice3A_144 : vector<8x1x300xbf16> to vector<8x300xbf16>
    %get3A_145 = arith.constant 0 : index
    %get3A_146 = arith.constant 0 : index
    %get3A_147 = vector.load %arg8[%get3A_145, %get3A_146] : memref<300x384xbf16, #tpu.memory_space<vmem>>, vector<300x384xbf16>
    %dot_general3A_148 = arith.constant dense<0.000000e+00> : vector<8x384xf32>
    %dot_general3A_149 = tpu.matmul %squeeze3A, %get3A_147, %dot_general3A_148 {dimension_numbers = #tpu.dot_dimension_numbers<[1], [0], [0], [1], [0, 0, 1, 1], [], []>, transpose_lhs_hint = false} : vector<8x300xbf16>, vector<300x384xbf16>, vector<8x384xf32> -> vector<8x384xf32>
    %get3A_150 = arith.constant 0 : index
    %get3A_151 = arith.constant 0 : index
    %get3A_152 = vector.load %arg9[%get3A_150, %get3A_151] : memref<1x384xf32, #tpu.memory_space<vmem>>, vector<1x384xf32>
    %add3A_153 = vector.broadcast %get3A_152 : vector<1x384xf32> to vector<8x384xf32>
    %add3A_154 = arith.addf %dot_general3A_149, %add3A_153 : vector<8x384xf32>
    %mul3A_155 = arith.constant 0.129099444 : f32
    %mul3A_156 = vector.broadcast %mul3A_155 : f32 to vector<8x384xf32>
    %mul3A_157 = arith.mulf %add3A_154, %mul3A_156 : vector<8x384xf32>
    %iota3A_158 = tpu.iota {dimensions = array<i32: 1>} : vector<1x384xi32>
    %jit3A_159 = arith.constant 60 : i32
    %div3A_160 = vector.broadcast %jit3A_159 : i32 to vector<1x384xi32>
    %div3A_161 = arith.divsi %iota3A_158, %div3A_160 : vector<1x384xi32>
    %sign3A = arith.constant 0 : i32
    %sign3A_162 = vector.broadcast %sign3A : i32 to vector<1x384xi32>
    %sign3A_163 = arith.cmpi sgt, %iota3A_158, %sign3A_162 : vector<1x384xi32>
    %sign3A_164 = arith.extui %sign3A_163 : vector<1x384xi1> to vector<1x384xi32>
    %sign3A_165 = arith.constant 0 : i32
    %sign3A_166 = vector.broadcast %sign3A_165 : i32 to vector<1x384xi32>
    %sign3A_167 = arith.cmpi slt, %iota3A_158, %sign3A_166 : vector<1x384xi32>
    %sign3A_168 = arith.extui %sign3A_167 : vector<1x384xi1> to vector<1x384xi32>
    %sign3A_169 = arith.subi %sign3A_164, %sign3A_168 : vector<1x384xi32>
    %sign3A_170 = arith.constant 0 : i32
    %sign3A_171 = arith.cmpi sgt, %jit3A_159, %sign3A_170 : i32
    %sign3A_172 = arith.extui %sign3A_171 : i1 to i32
    %sign3A_173 = arith.constant 0 : i32
    %sign3A_174 = arith.cmpi slt, %jit3A_159, %sign3A_173 : i32
    %sign3A_175 = arith.extui %sign3A_174 : i1 to i32
    %sign3A_176 = arith.subi %sign3A_172, %sign3A_175 : i32
    %ne3A = vector.broadcast %sign3A_176 : i32 to vector<1x384xi32>
    %ne3A_177 = arith.cmpi ne, %sign3A_169, %ne3A : vector<1x384xi32>
    %rem3A = vector.broadcast %jit3A_159 : i32 to vector<1x384xi32>
    %rem3A_178 = arith.remsi %iota3A_158, %rem3A : vector<1x384xi32>
    %ne3A_179 = arith.constant 0 : i32
    %ne3A_180 = vector.broadcast %ne3A_179 : i32 to vector<1x384xi32>
    %ne3A_181 = arith.cmpi ne, %rem3A_178, %ne3A_180 : vector<1x384xi32>
    %and3A = arith.andi %ne3A_177, %ne3A_181 : vector<1x384xi1>
    %sub3A = arith.constant 1 : i32
    %sub3A_182 = vector.broadcast %sub3A : i32 to vector<1x384xi32>
    %sub3A_183 = arith.subi %div3A_161, %sub3A_182 : vector<1x384xi32>
    %select_n3A_184 = arith.select %and3A, %sub3A_183, %div3A_161 : vector<1x384xi1>, vector<1x384xi32>
    %eq3A_185 = arith.constant 0 : i32
    %eq3A_186 = vector.broadcast %eq3A_185 : i32 to vector<1x384xi32>
    %eq3A_187 = arith.cmpi eq, %select_n3A_184, %eq3A_186 : vector<1x384xi32>
    %jit3A_188 = arith.constant 1.000000e+00 : f32
    %jit3A_189 = arith.constant 0.000000e+00 : f32
    %broadcast_in_dim3A_190 = vector.broadcast %jit3A_188 : f32 to vector<1x384xf32>
    %broadcast_in_dim3A_191 = vector.broadcast %jit3A_189 : f32 to vector<1x384xf32>
    %select_n3A_192 = arith.select %eq3A_187, %broadcast_in_dim3A_190, %broadcast_in_dim3A_191 : vector<1x384xi1>, vector<1x384xf32>
    %mul3A_193 = vector.broadcast %select_n3A_192 : vector<1x384xf32> to vector<8x384xf32>
    %mul3A_194 = arith.mulf %mul3A_157, %mul3A_193 : vector<8x384xf32>
    %eq3A_195 = arith.constant 1 : i32
    %eq3A_196 = vector.broadcast %eq3A_195 : i32 to vector<1x384xi32>
    %eq3A_197 = arith.cmpi eq, %select_n3A_184, %eq3A_196 : vector<1x384xi32>
    %jit3A_198 = arith.constant 1.000000e+00 : f32
    %jit3A_199 = arith.constant 0.000000e+00 : f32
    %broadcast_in_dim3A_200 = vector.broadcast %jit3A_198 : f32 to vector<1x384xf32>
    %broadcast_in_dim3A_201 = vector.broadcast %jit3A_199 : f32 to vector<1x384xf32>
    %select_n3A_202 = arith.select %eq3A_197, %broadcast_in_dim3A_200, %broadcast_in_dim3A_201 : vector<1x384xi1>, vector<1x384xf32>
    %mul3A_203 = vector.broadcast %select_n3A_202 : vector<1x384xf32> to vector<8x384xf32>
    %mul3A_204 = arith.mulf %mul3A_157, %mul3A_203 : vector<8x384xf32>
    %eq3A_205 = arith.constant 2 : i32
    %eq3A_206 = vector.broadcast %eq3A_205 : i32 to vector<1x384xi32>
    %eq3A_207 = arith.cmpi eq, %select_n3A_184, %eq3A_206 : vector<1x384xi32>
    %jit3A_208 = arith.constant 1.000000e+00 : f32
    %jit3A_209 = arith.constant 0.000000e+00 : f32
    %broadcast_in_dim3A_210 = vector.broadcast %jit3A_208 : f32 to vector<1x384xf32>
    %broadcast_in_dim3A_211 = vector.broadcast %jit3A_209 : f32 to vector<1x384xf32>
    %select_n3A_212 = arith.select %eq3A_207, %broadcast_in_dim3A_210, %broadcast_in_dim3A_211 : vector<1x384xi1>, vector<1x384xf32>
    %mul3A_213 = vector.broadcast %select_n3A_212 : vector<1x384xf32> to vector<8x384xf32>
    %mul3A_214 = arith.mulf %mul3A_157, %mul3A_213 : vector<8x384xf32>
    %eq3A_215 = arith.constant 3 : i32
    %eq3A_216 = vector.broadcast %eq3A_215 : i32 to vector<1x384xi32>
    %eq3A_217 = arith.cmpi eq, %select_n3A_184, %eq3A_216 : vector<1x384xi32>
    %jit3A_218 = arith.constant 1.000000e+00 : f32
    %jit3A_219 = arith.constant 0.000000e+00 : f32
    %broadcast_in_dim3A_220 = vector.broadcast %jit3A_218 : f32 to vector<1x384xf32>
    %broadcast_in_dim3A_221 = vector.broadcast %jit3A_219 : f32 to vector<1x384xf32>
    %select_n3A_222 = arith.select %eq3A_217, %broadcast_in_dim3A_220, %broadcast_in_dim3A_221 : vector<1x384xi1>, vector<1x384xf32>
    %mul3A_223 = vector.broadcast %select_n3A_222 : vector<1x384xf32> to vector<8x384xf32>
    %mul3A_224 = arith.mulf %mul3A_157, %mul3A_223 : vector<8x384xf32>
    %eq3A_225 = arith.constant 4 : i32
    %eq3A_226 = vector.broadcast %eq3A_225 : i32 to vector<1x384xi32>
    %eq3A_227 = arith.cmpi eq, %select_n3A_184, %eq3A_226 : vector<1x384xi32>
    %jit3A_228 = arith.constant 1.000000e+00 : f32
    %jit3A_229 = arith.constant 0.000000e+00 : f32
    %broadcast_in_dim3A_230 = vector.broadcast %jit3A_228 : f32 to vector<1x384xf32>
    %broadcast_in_dim3A_231 = vector.broadcast %jit3A_229 : f32 to vector<1x384xf32>
    %select_n3A_232 = arith.select %eq3A_227, %broadcast_in_dim3A_230, %broadcast_in_dim3A_231 : vector<1x384xi1>, vector<1x384xf32>
    %mul3A_233 = vector.broadcast %select_n3A_232 : vector<1x384xf32> to vector<8x384xf32>
    %mul3A_234 = arith.mulf %mul3A_157, %mul3A_233 : vector<8x384xf32>
    %concatenate3A_235 = tpu.concatenate %mul3A_194, %mul3A_204, %mul3A_214, %mul3A_224, %mul3A_234 in 0 : vector<8x384xf32>, vector<8x384xf32>, vector<8x384xf32>, vector<8x384xf32>, vector<8x384xf32> -> vector<40x384xf32>
    %convert_element_type3A_236 = arith.truncf %concatenate3A_235 : vector<40x384xf32> to vector<40x384xbf16>
    %dot_general3A_237 = arith.constant dense<0.000000e+00> : vector<40x400xf32>
    %dot_general3A_238 = tpu.matmul %convert_element_type3A_236, %convert_element_type3A_134, %dot_general3A_237 {dimension_numbers = #tpu.dot_dimension_numbers<[1], [1], [0], [0], [0, 0, 1, 0], [], []>, transpose_lhs_hint = false} : vector<40x384xbf16>, vector<400x384xbf16>, vector<40x400xf32> -> vector<40x400xf32>
    %exp3A_239 = math.exp %dot_general3A_238 : vector<40x400xf32>
    %mul3A_240 = arith.mulf %exp3A_239, %get3A_4 : vector<40x400xf32>
    %convert_element_type3A_241 = arith.truncf %mul3A_240 : vector<40x400xf32> to vector<40x400xbf16>
    %dot_general3A_242 = arith.constant dense<0.000000e+00> : vector<40x384xf32>
    %dot_general3A_243 = tpu.matmul %convert_element_type3A_241, %convert_element_type3A_143, %dot_general3A_242 {dimension_numbers = #tpu.dot_dimension_numbers<[1], [0], [0], [1], [0, 0, 1, 1], [], []>, transpose_lhs_hint = false} : vector<40x400xbf16>, vector<400x384xbf16>, vector<40x384xf32> -> vector<40x384xf32>
    %slice3A_244 = vector.extract_strided_slice %dot_general3A_243 {offsets = [0, 0], sizes = [8, 384], strides = [1, 1]} : vector<40x384xf32> to vector<8x384xf32>
    %slice3A_245 = vector.extract_strided_slice %slice3A_244 {offsets = [0, 0], sizes = [8, 60], strides = [1, 1]} : vector<8x384xf32> to vector<8x60xf32>
    %slice3A_246 = vector.extract_strided_slice %slice3A_244 {offsets = [0, 300], sizes = [8, 1], strides = [1, 1]} : vector<8x384xf32> to vector<8x1xf32>
    %div3A_247 = arith.constant 1.000000e+00 : f32
    %div3A_248 = vector.broadcast %div3A_247 : f32 to vector<8x1xf32>
    %div3A_249 = arith.divf %div3A_248, %slice3A_246 : vector<8x1xf32>
    %mul3A_250 = vector.broadcast %div3A_249 : vector<8x1xf32> to vector<8x60xf32>
    %mul3A_251 = arith.mulf %slice3A_245, %mul3A_250 : vector<8x60xf32>
    %slice3A_252 = vector.extract_strided_slice %dot_general3A_243 {offsets = [8, 0], sizes = [8, 384], strides = [1, 1]} : vector<40x384xf32> to vector<8x384xf32>
    %slice3A_253 = vector.extract_strided_slice %slice3A_252 {offsets = [0, 60], sizes = [8, 60], strides = [1, 1]} : vector<8x384xf32> to vector<8x60xf32>
    %slice3A_254 = vector.extract_strided_slice %slice3A_252 {offsets = [0, 300], sizes = [8, 1], strides = [1, 1]} : vector<8x384xf32> to vector<8x1xf32>
    %div3A_255 = arith.constant 1.000000e+00 : f32
    %div3A_256 = vector.broadcast %div3A_255 : f32 to vector<8x1xf32>
    %div3A_257 = arith.divf %div3A_256, %slice3A_254 : vector<8x1xf32>
    %mul3A_258 = vector.broadcast %div3A_257 : vector<8x1xf32> to vector<8x60xf32>
    %mul3A_259 = arith.mulf %slice3A_253, %mul3A_258 : vector<8x60xf32>
    %slice3A_260 = vector.extract_strided_slice %dot_general3A_243 {offsets = [16, 0], sizes = [8, 384], strides = [1, 1]} : vector<40x384xf32> to vector<8x384xf32>
    %slice3A_261 = vector.extract_strided_slice %slice3A_260 {offsets = [0, 120], sizes = [8, 60], strides = [1, 1]} : vector<8x384xf32> to vector<8x60xf32>
    %slice3A_262 = vector.extract_strided_slice %slice3A_260 {offsets = [0, 300], sizes = [8, 1], strides = [1, 1]} : vector<8x384xf32> to vector<8x1xf32>
    %div3A_263 = arith.constant 1.000000e+00 : f32
    %div3A_264 = vector.broadcast %div3A_263 : f32 to vector<8x1xf32>
    %div3A_265 = arith.divf %div3A_264, %slice3A_262 : vector<8x1xf32>
    %mul3A_266 = vector.broadcast %div3A_265 : vector<8x1xf32> to vector<8x60xf32>
    %mul3A_267 = arith.mulf %slice3A_261, %mul3A_266 : vector<8x60xf32>
    %slice3A_268 = vector.extract_strided_slice %dot_general3A_243 {offsets = [24, 0], sizes = [8, 384], strides = [1, 1]} : vector<40x384xf32> to vector<8x384xf32>
    %slice3A_269 = vector.extract_strided_slice %slice3A_268 {offsets = [0, 180], sizes = [8, 60], strides = [1, 1]} : vector<8x384xf32> to vector<8x60xf32>
    %slice3A_270 = vector.extract_strided_slice %slice3A_268 {offsets = [0, 300], sizes = [8, 1], strides = [1, 1]} : vector<8x384xf32> to vector<8x1xf32>
    %div3A_271 = arith.constant 1.000000e+00 : f32
    %div3A_272 = vector.broadcast %div3A_271 : f32 to vector<8x1xf32>
    %div3A_273 = arith.divf %div3A_272, %slice3A_270 : vector<8x1xf32>
    %mul3A_274 = vector.broadcast %div3A_273 : vector<8x1xf32> to vector<8x60xf32>
    %mul3A_275 = arith.mulf %slice3A_269, %mul3A_274 : vector<8x60xf32>
    %slice3A_276 = vector.extract_strided_slice %dot_general3A_243 {offsets = [32, 0], sizes = [8, 384], strides = [1, 1]} : vector<40x384xf32> to vector<8x384xf32>
    %slice3A_277 = vector.extract_strided_slice %slice3A_276 {offsets = [0, 240], sizes = [8, 60], strides = [1, 1]} : vector<8x384xf32> to vector<8x60xf32>
    %slice3A_278 = vector.extract_strided_slice %slice3A_276 {offsets = [0, 300], sizes = [8, 1], strides = [1, 1]} : vector<8x384xf32> to vector<8x1xf32>
    %div3A_279 = arith.constant 1.000000e+00 : f32
    %div3A_280 = vector.broadcast %div3A_279 : f32 to vector<8x1xf32>
    %div3A_281 = arith.divf %div3A_280, %slice3A_278 : vector<8x1xf32>
    %mul3A_282 = vector.broadcast %div3A_281 : vector<8x1xf32> to vector<8x60xf32>
    %mul3A_283 = arith.mulf %slice3A_277, %mul3A_282 : vector<8x60xf32>
    %concatenate3A_284 = tpu.concatenate %mul3A_251, %mul3A_259, %mul3A_267, %mul3A_275, %mul3A_283 in 1 : vector<8x60xf32>, vector<8x60xf32>, vector<8x60xf32>, vector<8x60xf32>, vector<8x60xf32> -> vector<8x300xf32>
    %convert_element_type3A_285 = arith.truncf %concatenate3A_284 : vector<8x300xf32> to vector<8x300xbf16>
    %get3A_286 = arith.constant 0 : index
    %get3A_287 = arith.constant 0 : index
    %get3A_288 = vector.load %arg10[%get3A_286, %get3A_287] : memref<300x300xbf16, #tpu.memory_space<vmem>>, vector<300x300xbf16>
    %dot_general3A_289 = arith.constant dense<0.000000e+00> : vector<8x300xf32>
    %dot_general3A_290 = tpu.matmul %convert_element_type3A_285, %get3A_288, %dot_general3A_289 {dimension_numbers = #tpu.dot_dimension_numbers<[1], [0], [0], [1], [0, 0, 1, 1], [], []>, transpose_lhs_hint = false} : vector<8x300xbf16>, vector<300x300xbf16>, vector<8x300xf32> -> vector<8x300xf32>
    %get3A_291 = arith.constant 0 : index
    %get3A_292 = arith.constant 0 : index
    %get3A_293 = vector.load %arg11[%get3A_291, %get3A_292] : memref<1x300xf32, #tpu.memory_space<vmem>>, vector<1x300xf32>
    %add3A_294 = vector.broadcast %get3A_293 : vector<1x300xf32> to vector<8x300xf32>
    %add3A_295 = arith.addf %dot_general3A_290, %add3A_294 : vector<8x300xf32>
    %convert_element_type3A_296 = arith.truncf %add3A_295 : vector<8x300xf32> to vector<8x300xbf16>
    %get3A_297 = arith.constant 0 : index
    %get3A_298 = arith.constant 0 : index
    %get3A_299 = vector.load %arg12[%get3A_297, %get3A_298] : memref<300x4xbf16, #tpu.memory_space<vmem>>, vector<300x4xbf16>
    %dot_general3A_300 = arith.constant dense<0.000000e+00> : vector<8x4xf32>
    %dot_general3A_301 = tpu.matmul %convert_element_type3A_296, %get3A_299, %dot_general3A_300 {dimension_numbers = #tpu.dot_dimension_numbers<[1], [0], [0], [1], [0, 0, 1, 1], [], []>, transpose_lhs_hint = false} : vector<8x300xbf16>, vector<300x4xbf16>, vector<8x4xf32> -> vector<8x4xf32>
    %get3A_302 = arith.constant 0 : index
    %get3A_303 = arith.constant 0 : index
    %get3A_304 = vector.load %arg13[%get3A_302, %get3A_303] : memref<1x4xf32, #tpu.memory_space<vmem>>, vector<1x4xf32>
    %add3A_305 = vector.broadcast %get3A_304 : vector<1x4xf32> to vector<8x4xf32>
    %add3A_306 = arith.addf %dot_general3A_301, %add3A_305 : vector<8x4xf32>
    %broadcast_in_dim3A_307 = vector.shape_cast %add3A_306 : vector<8x4xf32> to vector<1x8x4xf32>
    %swap3A = arith.constant 0 : index
    %swap3A_308 = arith.constant 0 : index
    %swap3A_309 = arith.constant 0 : index
    %swap3A_310 = vector.load %arg16[%swap3A, %swap3A_308, %swap3A_309] : memref<1x8x4xf32, #tpu.memory_space<vmem>>, vector<1x8x4xf32>
    tpu.vector_store %arg16[%swap3A, %swap3A_308, %swap3A_309], %broadcast_in_dim3A_307 {strides = array<i32>} : memref<1x8x4xf32, #tpu.memory_space<vmem>>, vector<1x8x4xf32>,
    return
  }
  func.func @transform_0(%arg0: i32) -> (i32, i32) {
    %c0_i32 = arith.constant 0 : i32
    %c0_i32_0 = arith.constant 0 : i32
    return %arg0, %c0_i32 : i32, i32
  }
  func.func @transform_1(%arg0: i32) -> (i32, i32) {
    %c0_i32 = arith.constant 0 : i32
    %c0_i32_0 = arith.constant 0 : i32
    return %arg0, %c0_i32 : i32, i32
  }
  func.func @transform_2(%arg0: i32) -> (i32, i32) {
    %c0_i32 = arith.constant 0 : i32
    %c0_i32_0 = arith.constant 0 : i32
    %c0_i32_1 = arith.constant 0 : i32
    return %c0_i32, %c0_i32_0 : i32, i32
  }
  func.func @transform_3(%arg0: i32) -> (i32, i32) {
    %c0_i32 = arith.constant 0 : i32
    %c0_i32_0 = arith.constant 0 : i32
    %c0_i32_1 = arith.constant 0 : i32
    return %c0_i32, %c0_i32_0 : i32, i32
  }
  func.func @transform_4(%arg0: i32) -> (i32, i32) {
    %c0_i32 = arith.constant 0 : i32
    %c0_i32_0 = arith.constant 0 : i32
    %c0_i32_1 = arith.constant 0 : i32
    return %c0_i32, %c0_i32_0 : i32, i32
  }
  func.func @transform_5(%arg0: i32) -> (i32, i32) {
    %c0_i32 = arith.constant 0 : i32
    %c0_i32_0 = arith.constant 0 : i32
    %c0_i32_1 = arith.constant 0 : i32
    return %c0_i32, %c0_i32_0 : i32, i32
  }
  func.func @transform_6(%arg0: i32) -> (i32, i32) {
    %c0_i32 = arith.constant 0 : i32
    %c0_i32_0 = arith.constant 0 : i32
    %c0_i32_1 = arith.constant 0 : i32
    return %c0_i32, %c0_i32_0 : i32, i32
  }
  func.func @transform_7(%arg0: i32) -> (i32, i32) {
    %c0_i32 = arith.constant 0 : i32
    %c0_i32_0 = arith.constant 0 : i32
    %c0_i32_1 = arith.constant 0 : i32
    return %c0_i32, %c0_i32_0 : i32, i32
  }
  func.func @transform_8(%arg0: i32) -> (i32, i32) {
    %c0_i32 = arith.constant 0 : i32
    %c0_i32_0 = arith.constant 0 : i32
    %c0_i32_1 = arith.constant 0 : i32
    return %c0_i32, %c0_i32_0 : i32, i32
  }
  func.func @transform_9(%arg0: i32) -> (i32, i32) {
    %c0_i32 = arith.constant 0 : i32
    %c0_i32_0 = arith.constant 0 : i32
    %c0_i32_1 = arith.constant 0 : i32
    return %c0_i32, %c0_i32_0 : i32, i32
  }
  func.func @transform_10(%arg0: i32) -> (i32, i32) {
    %c0_i32 = arith.constant 0 : i32
    %c0_i32_0 = arith.constant 0 : i32
    %c0_i32_1 = arith.constant 0 : i32
    return %c0_i32, %c0_i32_0 : i32, i32
  }
  func.func @transform_11(%arg0: i32) -> (i32, i32) {
    %c0_i32 = arith.constant 0 : i32
    %c0_i32_0 = arith.constant 0 : i32
    %c0_i32_1 = arith.constant 0 : i32
    return %c0_i32, %c0_i32_0 : i32, i32
  }
  func.func @transform_12(%arg0: i32) -> (i32, i32) {
    %c0_i32 = arith.constant 0 : i32
    %c0_i32_0 = arith.constant 0 : i32
    %c0_i32_1 = arith.constant 0 : i32
    return %c0_i32, %c0_i32_0 : i32, i32
  }
  func.func @transform_13(%arg0: i32) -> (i32, i32) {
    %c0_i32 = arith.constant 0 : i32
    %c0_i32_0 = arith.constant 0 : i32
    %c0_i32_1 = arith.constant 0 : i32
    return %c0_i32, %c0_i32_0 : i32, i32
  }
  func.func @transform_14(%arg0: i32) -> (i32, i32) {
    %c0_i32 = arith.constant 0 : i32
    %c0_i32_0 = arith.constant 0 : i32
    %c0_i32_1 = arith.constant 0 : i32
    return %c0_i32, %c0_i32_0 : i32, i32
  }
  func.func @transform_15(%arg0: i32) -> (i32, i32, i32) {
    %c0_i32 = arith.constant 0 : i32
    %c0_i32_0 = arith.constant 0 : i32
    %c0_i32_1 = arith.constant 0 : i32
    return %arg0, %c0_i32, %c0_i32_0 : i32, i32, i32
  }
}

</mosaic_0001>

<sc_bundles>
// kernel: kernel.11.cloned.1.call-start
scs
__scs_entry_jumppad:
0x0: {  	(pc) =	sbr.rel $0x88, $3  }
0x1: {  	(tag) =	ssettag $0x0;
	lr =	simm.s32 $0x1  }
0x2: {  	[smem:$0x3F95] =	sst lr;
	_ =	strace $0xD0000000  }
0x3: {  	_ = 	snop  }
0x4: {  	_ = 	snop  }
0x5: {  	_ = 	snop  }
0x6: {  	_ = 	snop  }
0x7: {  	_ = 	snop  }
__scs_overlays_trampoline_lowered:
0x8: {  	[smem:$0x3FA4] =	sst s0  }
0x9: {  	[smem:$0x3FA5] =	sst s1  }
0xa: {  	[smem:$0x3FA6] =	sst s2  }
0xb: {  	[smem:$0x3FA7] =	sst s3  }
0xc: {  	[smem:$0x3FA8] =	sst s4  }
0xd: {  	[smem:$0x3FA9] =	sst s5  }
0xe: {  	[smem:$0x3FAA] =	sst s6  }
0xf: {  	[smem:$0x3FAB] =	sst s7  }
0x10: {  	[smem:$0x3FAC] =	sst s8  }
0x11: {  	[smem:$0x3FAD] =	sst s9;
	s0 =	simm.s32 @!p0 $0x0  }
0x12: {  	s1 =	sld [smem:$0x3F93];
	s0 =	simm.s32 @p0 $0x1  }
0x13: {  	[smem:$0x3FAE] =	sst s0;
	s0 =	simm.s32 @!p1 $0x0  }
0x14: {  	s2 =	sld [smem:$0x3F92];
	s0 =	simm.s32 @p1 $0x1  }
0x15: {  	[smem:$0x3FAF] =	sst s0;
	s0 =	simm.s32 @!p2 $0x0  }
0x16: {  	s3 =	sld [smem:$0x3FDB];
	s0 =	simm.s32 @p2 $0x1  }
0x17: {  	s4 =	simm.s32 $0x1BF5;
	[smem:$0x3FB1] =	sst s0  }
0x18: {  	s0 =	sld [smem:$0x3F94];
	_ =	swait.ge [sflag:s4], $0x0  }
0x19: {  	s7 =	sld [smem:$0x3F95]  }
0x1a: {  	s8 =	sadd.s32 $0xFFFFE003, lr  }
0x1b: {  	s9 =	sadd.s32 $0xFFFFFEF7, lr;
	s5 =	simm.s32 $0xFFFFFFFF;
	p2 =	slt.u32 s8, $0xFFFFF086  }
0x1c: {  	p1 =	slt.u32 s9, $0xF7A;
	s5 =	simm.s32 @!p2 $0x0  }
0x1d: {  	s5 =	simm.s32 @p1 $0x1;
	p0 =	seq.s32 s7, s2  }
0x1e: {  	s7 =	smul.u32 @!p0 $0xF7A, s2;
	p2 =	seq.s32 @!p0 s5, $0x0  }
0x1f: {  	s9 =	smul.u32 $0xF7A, s1;
	s8 =	simm.s32 @!p0 $0x1BF5;
	p2 =	por !p2, p0  }
0x20: {  	[sflag:s8] =	ssyncset.s32 @!p0 $0xFFFFF086;
	s6 =	sadd.s32 @!p0 s3, s7;
	s7 =	simm.s32 @!p0 $0x108  }
0x21: {  	s3 =	sadd.s32 s3, s9;
	s6 =	sadd.s32 @!p0 $0x88, s6;
	s7 =	simm.s32 @p2 $0x1082  }
0x22: {  	[simem:s7], [sflag:s8] =	dma.local @!p0 [hbm:s6], $0xF7A  }
0x23: {  	s9 =	sor.u32 $0xD0000000, s2;
	s6 =	simm.s32 $0x108;
	_ =	swait.ge @!p0 [sflag:s8], $0x0  }
0x24: {  	s3 =	sadd.s32 $0x88, s3;
	s6 =	simm.s32 @!p1 $0x1082;
	[sflag:s4] =	ssyncset.s32 $0xFFFFF086  }
0x25: {  	[simem:s6], [sflag:s4] =	dma.local [hbm:s3], $0xF7A  }
0x26: {  	[smem:$0x3F95] =	sst s1;
	(tag) =	ssettag s2;
	_ =	strace s9  }
0x27: {  	s1 =	sld [smem:$0x3FA5]  }
0x28: {  	s2 =	sld [smem:$0x3FA6]  }
0x29: {  	s4 =	sld [smem:$0x3FA8]  }
0x2a: {  	p0 =	seq.s32 s5, $0x0;
	s5 =	sld [smem:$0x3FA9]  }
0x2b: {  	s6 =	sld [smem:$0x3FAA]  }
0x2c: {  	s7 =	sld [smem:$0x3FAB]  }
0x2d: {  	s3 =	simm.s32 $0x108;
	s8 =	sld [smem:$0x3FAC]  }
0x2e: {  	s3 =	simm.s32 @!p0 $0x1082;
	s9 =	sld [smem:$0x3FAD]  }
0x2f: {  	lr =	sadd.s32 s0, s3;
	s0 =	sld [smem:$0x3FA4]  }
0x30: {  	s3 =	sld [smem:$0x3FA7]  }
0x31: {  	[smem:$0x3FB0] =	sst s10  }
0x32: {  	s10 =	sld [smem:$0x3FAE];
	_ =	sdelay $0x3  }
0x33: {  	p0 =	seq.s32 s10, $0x1;
	s10 =	sld [smem:$0x3FB0];
	_ =	sdelay $0x3  }
0x34: {  	[smem:$0x3FB0] =	sst s10  }
0x35: {  	s10 =	sld [smem:$0x3FAF];
	_ =	sdelay $0x3  }
0x36: {  	p1 =	seq.s32 s10, $0x1;
	s10 =	sld [smem:$0x3FB0];
	_ =	sdelay $0x3  }
0x37: {  	[smem:$0x3FB0] =	sst s10  }
0x38: {  	s10 =	sld [smem:$0x3FB1]  }
0x39: {  	_ = 	snop;
	(pc) =	sbr.ind lr, $3  }
0x3a: {  	_ = 	snop  }
0x3b: {  	_ = 	snop  }
0x3c: {  	p2 =	seq.s32 s10, $0x1;
	s10 =	sld [smem:$0x3FB0]  }
0x3d: {  	_ =	shalt  }
0x3e: {  	_ =	shalt  }
0x3f: {  	_ =	shalt  }
0x40: {  	_ =	shalt  }
0x41: {  	_ =	shalt  }
0x42: {  	_ =	shalt  }
0x43: {  	_ =	shalt  }
0x44: {  	_ =	shalt  }
0x45: {  	_ =	shalt  }
0x46: {  	_ =	shalt  }
0x47: {  	_ =	shalt  }
0x48: {  	_ =	shalt  }
0x49: {  	_ =	shalt  }
0x4a: {  	_ =	shalt  }
0x4b: {  	_ =	shalt  }
0x4c: {  	_ =	shalt  }
0x4d: {  	_ =	shalt  }
0x4e: {  	_ =	shalt  }
0x4f: {  	_ =	shalt  }
0x50: {  	_ =	shalt  }
0x51: {  	_ =	shalt  }
0x52: {  	_ =	shalt  }
0x53: {  	_ =	shalt  }
0x54: {  	_ =	shalt  }
0x55: {  	_ =	shalt  }
0x56: {  	_ =	shalt  }
0x57: {  	_ =	shalt  }
0x58: {  	_ =	shalt  }
0x59: {  	_ =	shalt  }
0x5a: {  	_ =	shalt  }
0x5b: {  	_ =	shalt  }
0x5c: {  	_ =	shalt  }
0x5d: {  	_ =	shalt  }
0x5e: {  	_ =	shalt  }
0x5f: {  	_ =	shalt  }
0x60: {  	_ =	shalt  }
0x61: {  	_ =	shalt  }
0x62: {  	_ =	shalt  }
0x63: {  	_ =	shalt  }
0x64: {  	_ =	shalt  }
0x65: {  	_ =	shalt  }
0x66: {  	_ =	shalt  }
0x67: {  	_ =	shalt  }
0x68: {  	_ =	shalt  }
0x69: {  	_ =	shalt  }
0x6a: {  	_ =	shalt  }
0x6b: {  	_ =	shalt  }
0x6c: {  	_ =	shalt  }
0x6d: {  	_ =	shalt  }
0x6e: {  	_ =	shalt  }
0x6f: {  	_ =	shalt  }
0x70: {  	_ =	shalt  }
0x71: {  	_ =	shalt  }
0x72: {  	_ =	shalt  }
0x73: {  	_ =	shalt  }
0x74: {  	_ =	shalt  }
0x75: {  	_ =	shalt  }
0x76: {  	_ =	shalt  }
0x77: {  	_ =	shalt  }
0x78: {  	_ =	shalt  }
0x79: {  	_ =	shalt  }
0x7a: {  	_ =	shalt  }
0x7b: {  	_ =	shalt  }
0x7c: {  	_ =	shalt  }
0x7d: {  	_ =	shalt  }
0x7e: {  	_ =	shalt  }
0x7f: {  	_ =	shalt  }
0x80: {  	_ =	shalt  }
0x81: {  	_ =	shalt  }
0x82: {  	_ =	shalt  }
0x83: {  	_ =	shalt  }
0x84: {  	_ =	shalt  }
0x85: {  	_ =	shalt  }
0x86: {  	_ =	shalt  }
0x87: {  	_ =	shalt  }
.Lfunc_end0:
.L_simem_size_0:
called_computation_lowered:
.L_overlay_start_0:
0x88: {  	s2 =	sld [smem:$0x3FD9]  }
0x89: {  	s3 =	sld [smem:$0x3FFE];
	_ =	sdelay $0x1  }
0x8a: {  	s1 =	srdreg.scid  }
0x8b: {  	s0 =	sand.u32 $0x1, s1  }
0x8c: {  	s17 =	sshll.u32 s0, $0xA;
	s2 =	sadd.s32 s3, s2  }
0x8d: {  	s2 =	sadd.s32 s2, s17  }
0x8e: {  	[smem:$0x3FBC] =	sst s2  }
0x8f: {  	_ = 	snop  }
0x90: {  	(tm) =	ssettm $0x1  }
0x91: {  	s18 =	sld [smem:$0x3FFB];
	_ =	sdelay $0x3  }
0x92: {  	_ =	strace s18  }
0x93: {  	s2 =	sld [smem:$0x3FFC];
	_ =	sdelay $0x3  }
0x94: {  	_ =	strace s2  }
0x95: {  	s2 =	sld [smem:$0x3FFD];
	_ =	sdelay $0x3  }
0x96: {  	_ =	strace s2  }
0x97: {  	_ =	strace $0x8FFFFFFF  }
0x98: {  	s19 =	sld [smem:$0x3FDB];
	_ =	sdelay $0x1  }
0x99: {  	s20 =	simm.s32 $_scs_section_size  }
0x9a: {  	s4 =	simm.s32 $_size__tile_overlayer_lowered;
	s5 =	simm.s32 $_tile_overlayer_lowered  }
0x9b: {  	s6 =	simm.s32 $0x1BFF;
	s21 =	sshll.u32 s5, $0x1;
	s3 =	sadd.s32 s20, s19  }
0x9c: {  	s22 =	simm.s32 $0x0;
	s4 =	sshll.u32 s4, $0x1;
	s5 =	sadd.s32 s21, s3  }
0x9d: {  	[timem:s22], [sflag:s6] =	dma.local [hbm:s5], s4  }
0x9e: {  	_ =	swait.ge [sflag:s6], s4  }
0x9f: {  	s4 =	ssub.s32 $0x0, s4;
	[sflag:s6] =	ssyncset.done $0x0  }
0xa0: {  	[sflag:s6] =	ssyncadd.s32 s4;
	_ =	sdelay $0x1  }
0xa1: {  	s23 =	simm.s32 $0x1B8B  }
0xa2: {  	_ =	swait.ge [sflag:s23], $0x1  }
0xa3: {  	[sflag:s23] =	ssyncset.done $0x0  }
0xa4: {  	[sflag:s23] =	ssyncadd.s32 $0xFFFFFFFF  }
0xa5: {  	s4 =	sld [smem:$0x0]  }
0xa6: {  	s5 =	sand.u32 $0xFFFFFFFE, s1  }
0xa7: {  	p0 =	sne.s32 s1, s5  }
0xa8: {  	s5 =	sshll.u32 @p0 s5, $0xE  }
0xa9: {  	s5 =	sadd.s32 @p0 $0x11B8D, s5;
	s6 =	sshll.u32 @p0 s4, $0x11  }
0xaa: {  	s5 =	sor.u32 @p0 s6, s5  }
0xab: {  	[sflag:s5] =	ssyncadd.remote.s32 @p0 $0x1;
	_ =	sdelay $0x1  }
0xac: {  	s5 =	simm.s32 @p0 $0x1B8D  }
0xad: {  	_ =	swait.eq @p0 [sflag:s5], $0x1  }
0xae: {  	[sflag:s5] =	ssyncadd.s32 @p0 $0xFFFFFFFF  }
0xaf: {  	s6 =	sshll.u32 @!p0 s1, $0xE  }
0xb0: {  	s6 =	sor.u32 @!p0 $0x4000, s6;
	s5 =	simm.s32 @!p0 $0x1B8D  }
0xb1: {  	s4 =	sshll.u32 @!p0 s4, $0x11;
	s6 =	sadd.s32 @!p0 $0x11B8D, s6;
	_ =	swait.eq @!p0 [sflag:s5], $0x1  }
0xb2: {  	s4 =	sor.u32 @!p0 s4, s6;
	[sflag:s5] =	ssyncadd.s32 @!p0 $0xFFFFFFFF  }
0xb3: {  	s25 =	simm.s32 $0x1B8E;
	s24 =	sld [smem:$0x3FFE];
	[sflag:s4] =	ssyncadd.remote.s32 @!p0 $0x1  }
0xb4: {  	s26 =	simm.s32 $execute0_lowered;
	[smem:$0x3FD2] =	sst s25  }
0xb5: {  	s5 =	sshll.u32 s26, $0x1;
	_ =	strace $0x8000004F;
	[dreg:$0x1] =	wrdreg $0xFFFFFFFF  }
0xb6: {  	s28 =	simm.s32 $_size_execute0_lowered;
	s3 =	sadd.s32 s3, s5;
	[dreg:$0x0] =	wrdreg $0x0  }
0xb7: {  	s5 =	sshll.u32 s28, $0x1;
	[dreg:$0x2] =	wrdreg s3  }
0xb8: {  	[dreg:$0x3] =	wrdreg s5  }
0xb9: {  	[dreg:$0x4] =	wrdreg $0xC0  }
0xba: {  	_ =	task [dreg:s22], $0x5FFFF  }
0xbb: {  	[dreg:$0x1] =	wrdreg $0xFFFFFFFF  }
0xbc: {  	[dreg:$0x0] =	wrdreg $0x60  }
0xbd: {  	[dreg:$0x2] =	wrdreg s24  }
0xbe: {  	[dreg:$0x3] =	wrdreg $0x9  }
0xbf: {  	_ =	task.clear_ibuf [dreg:s22], $0x4FFFF;
	_ =	strace $0x9000004F  }
0xc0: {  	s29 =	simm.s32 $0x9;
	_ =	strace $0x80000051  }
0xc1: {  	_ =	swait.ge [sflag:s29], $0x1  }
0xc2: {  	[sflag:s29] =	ssyncadd.s32 $0xFFFFFFFF  }
0xc3: {  	_ =	strace $0x90000051  }
0xc4: {  	_ =	sfence  }
0xc5: {  	s30 =	sld [smem:$0x0];
	_ =	sdelay $0x2  }
0xc6: {  	s31 =	sshll.u32 s1, $0xD;
	s1 =	sshrl.u32 s1, $0x2  }
0xc7: {  	s4 =	sand.u32 $0x4000, s31;
	s1 =	sadd.s32 s1, s30  }
0xc8: {  	s0 =	sor.u32 s4, s0;
	s1 =	sshll.u32 s1, $0x11  }
0xc9: {  	s0 =	sor.u32 s1, s0  }
0xca: {  	s0 =	sadd.s32 $0x8F2B, s0  }
0xcb: {  	[sflag:s0] =	ssyncadd.remote.s32 $0x1  }
0xcc: {  	_ =	sfence.sel $0xFFFF  }
0xcd: {  	[dreg:$0x0] =	wrdreg $0xFFFFFFFF;
	(pc) =	sbr.abs _section_cstart, $3  }
0xce: {  	[dreg:$0x1] =	wrdreg $0xFFFFFFFF  }
0xcf: {  	_ =	task.clear_ibuf [dreg:s22], $0x2FFFF;
	_ =	strace $0x9FFFFFFF  }
0xd0: {  	(tm) =	ssettm $0x7FFFFFFF  }
0xd1: {  	_ =	shalt  }
tec
execute0_lowered:
.L_overlay_start_1:
0x0: {  	(tag) =	ssettag $0x1  }
0x1: {  	s1 =	srdreg.scid  }
0x2: {  	s0 =	stileid.u32;
	s5 =	rddreg [dreg:$0x0];
	s2 =	simm.s32 $0x0  }
0x3: {  	s14 =	simm.s32 $0x2380;
	s15 =	simm.s32 $0x2B80;
	s16 =	simm.s32 $0x3380  }
0x4: {  	s17 =	simm.s32 $0x3B80;
	s18 =	simm.s32 $0x4380;
	s19 =	simm.s32 $0x4B80  }
0x5: {  	s20 =	simm.s32 $0x50;
	s21 =	simm.s32 $0x5380;
	s22 =	simm.s32 $0x1  }
0x6: {  	s23 =	simm.s32 $0x2;
	s24 =	simm.s32 $0x0;
	s8 =	smul.u32 $0xC800, s0  }
0x7: {  	s6 =	sand.u32 $0x1, s1;
	s1 =	rddreg [dreg:$0x1];
	s9 =	smul.u32 $0x6400, s0  }
0x8: {  	s3 =	sshll.u32 s0, $0x1;
	[smem:$0x7FF] =	sst s2;
	s11 =	smul.u32 $0x6400, s6  }
0x9: {  	s4 =	sadd.s32 $0x499C00, s5;
	s3 =	sor.u32 s6, s3;
	s13 =	smul.u32 $0x3200, s6  }
0xa: {  	_ =	strace $0x80000050;
	s10 =	ssub.s32 $0x2, s6;
	s7 =	smul.u32 $0x320, s3  }
0xb: {  	s3 =	sadd.s32 $0x5C00, s5;
	s8 =	sadd.s32 s8, s5;
	s12 =	sshrl.u32 s10, $0x1  }
0xc: {  	s9 =	sadd.s32 s9, s5;
	s29 =	ssub.s32 s10, s12;
	s30 =	sadd.s32 s11, s8  }
0xd: {  	s31 =	sadd.s32 s13, s9;
	s9 =	simm.s32 $0x3;
	s10 =	simm.s32 $0x380  }
0xe: {  	v2 =	vlaneseq.u32;
	s11 =	simm.s32 $0xB80;
	s12 =	simm.s32 $0x1380;
	s7 =	sshrl.u32 s7, $0x3  }
0xf: {  	vm0 =	vmmov $0xffff;
	v1 =	vshrl.u32 v2, $0x3;
	s13 =	simm.s32 $0x1B80;
	s8 =	sadd.s32 $0x9A5600, s31;
	s7 =	sadd.s32 s7, s5  }
0x10: {  	v0 =	vand.u32 $0x7, v2;
	v2 =	vor.u32 $0x8, v2;
	v1 =	vmul.u32 $0x8, v1;
	s6 =	smax.u32 s29, $0x1;
	s5 =	sadd.s32 $0x9A4800, s7;
	s7 =	sadd.s32 $0xA09600, s30  }
.LBB2_1:
0x11: {  	[tilespmem:s2], [sflag:$0x3] =	stream.linear.gather [hbm4b:s5+s2], $0x320, $0x38;
	[tilespmem:$0x7B80] =	vst v63  }
0x12: {  	_ =	swait.ge [sflag:s9], $0x320  }
0x13: {  	s25 =	simm.s32 $0x0;
	[sflag:s9] =	ssyncset.done $0x0  }
0x14: {  	s26 =	smov.u32 s7;
	s28 =	simm.s32 $0x0;
	[sflag:s9] =	ssyncadd.s32 $0xFFFFFCE0  }
.LBB2_2:
0x15: {  	v3 =	vld [tilespmem:s25+$0x0];
	_ =	sdelay $0x4  }
0x16: {  	v4 =	vshrl.u32 v3, $0x3  }
0x17: {  	v4 =	vmul.u32 $0x18, v4  }
0x18: {  	v3 =	vand.u32 $0x7, v3  }
0x19: {  	v3 =	vor.u32 v3, v4  }
0x1a: {  	v4 =	vperm.xlane v3, v0;
	_ =	sdelay $0x1  }
0x1b: {  	v3 =	vperm.xlane v3, v2;
	v4 =	vadd.s32 v1, v4;
	_ =	sdelay $0x1  }
0x1c: {  	v3 =	vadd.s32 v1, v3;
	_ =	sdelay $0x2  }
0x1d: {  	[tilespmem:s10], [sflag:$0x1] =	stream.indirect_vreg.gather [hbm4b:s3+s2], $0x80, v4, vm0, $0xb8;
	[tilespmem:$0x7B80] =	vst v63  }
0x1e: {  	_ = 	snop  }
0x1f: {  	[tilespmem:s11], [sflag:$0x1] =	stream.indirect_vreg.gather [hbm4b:s3+s2], $0x80, v3, vm0, $0xb8;
	[tilespmem:$0x7B80] =	vst v63  }
0x20: {  	v3 =	vld [tilespmem:s25+$0x10];
	_ =	sdelay $0x4  }
0x21: {  	v60 =	vshrl.u32 v3, $0x3  }
0x22: {  	v4 =	vmul.u32 $0x18, v60  }
0x23: {  	v3 =	vand.u32 $0x7, v3  }
0x24: {  	v3 =	vor.u32 v3, v4  }
0x25: {  	v4 =	vperm.xlane v3, v0;
	_ =	sdelay $0x1  }
0x26: {  	v3 =	vperm.xlane v3, v2;
	v4 =	vadd.s32 v1, v4;
	_ =	sdelay $0x1  }
0x27: {  	v3 =	vadd.s32 v1, v3;
	_ =	sdelay $0x2  }
0x28: {  	[tilespmem:s12], [sflag:$0x1] =	stream.indirect_vreg.gather [hbm4b:s3+s2], $0x80, v4, vm0, $0xb8;
	[tilespmem:$0x7B80] =	vst v63  }
0x29: {  	_ = 	snop  }
0x2a: {  	[tilespmem:s13], [sflag:$0x1] =	stream.indirect_vreg.gather [hbm4b:s3+s2], $0x80, v3, vm0, $0xb8;
	[tilespmem:$0x7B80] =	vst v63  }
0x2b: {  	v3 =	vld [tilespmem:s25+$0x20];
	_ =	sdelay $0x4  }
0x2c: {  	v61 =	vshrl.u32 v3, $0x3  }
0x2d: {  	v4 =	vmul.u32 $0x18, v61  }
0x2e: {  	v3 =	vand.u32 $0x7, v3  }
0x2f: {  	v3 =	vor.u32 v3, v4  }
0x30: {  	v4 =	vperm.xlane v3, v0;
	_ =	sdelay $0x1  }
0x31: {  	v3 =	vperm.xlane v3, v2;
	v4 =	vadd.s32 v1, v4;
	_ =	sdelay $0x1  }
0x32: {  	v3 =	vadd.s32 v1, v3;
	_ =	sdelay $0x2  }
0x33: {  	[tilespmem:s14], [sflag:$0x1] =	stream.indirect_vreg.gather [hbm4b:s3+s2], $0x80, v4, vm0, $0xb8;
	[tilespmem:$0x7B80] =	vst v63  }
0x34: {  	_ = 	snop  }
0x35: {  	[tilespmem:s15], [sflag:$0x1] =	stream.indirect_vreg.gather [hbm4b:s3+s2], $0x80, v3, vm0, $0xb8;
	[tilespmem:$0x7B80] =	vst v63  }
0x36: {  	v3 =	vld [tilespmem:s25+$0x30];
	_ =	sdelay $0x4  }
0x37: {  	v62 =	vshrl.u32 v3, $0x3  }
0x38: {  	v4 =	vmul.u32 $0x18, v62  }
0x39: {  	v3 =	vand.u32 $0x7, v3  }
0x3a: {  	v3 =	vor.u32 v3, v4  }
0x3b: {  	v4 =	vperm.xlane v3, v0;
	_ =	sdelay $0x1  }
0x3c: {  	v3 =	vperm.xlane v3, v2;
	v4 =	vadd.s32 v1, v4;
	_ =	sdelay $0x1  }
0x3d: {  	v3 =	vadd.s32 v1, v3;
	_ =	sdelay $0x2  }
0x3e: {  	[tilespmem:s16], [sflag:$0x1] =	stream.indirect_vreg.gather [hbm4b:s3+s2], $0x80, v4, vm0, $0xb8;
	[tilespmem:$0x7B80] =	vst v63  }
0x3f: {  	_ = 	snop  }
0x40: {  	[tilespmem:s17], [sflag:$0x1] =	stream.indirect_vreg.gather [hbm4b:s3+s2], $0x80, v3, vm0, $0xb8;
	[tilespmem:$0x7B80] =	vst v63  }
0x41: {  	v3 =	vld [tilespmem:s25+$0x40];
	_ =	sdelay $0x4  }
0x42: {  	v63 =	vshrl.u32 v3, $0x3  }
0x43: {  	v4 =	vmul.u32 $0x18, v63  }
0x44: {  	v3 =	vand.u32 $0x7, v3  }
0x45: {  	v3 =	vor.u32 v3, v4  }
0x46: {  	v4 =	vperm.xlane v3, v0;
	_ =	sdelay $0x1  }
0x47: {  	v3 =	vperm.xlane v3, v2;
	v4 =	vadd.s32 v1, v4;
	_ =	sdelay $0x1  }
0x48: {  	v3 =	vadd.s32 v1, v3;
	_ =	sdelay $0x2  }
0x49: {  	[tilespmem:s18], [sflag:$0x1] =	stream.indirect_vreg.gather [hbm4b:s3+s2], $0x80, v4, vm0, $0xb8;
	[tilespmem:$0x7B80] =	vst v63  }
0x4a: {  	_ = 	snop  }
0x4b: {  	[tilespmem:s19], [sflag:$0x1] =	stream.indirect_vreg.gather [hbm4b:s3+s2], $0x80, v3, vm0, $0xb8;
	[tilespmem:$0x7B80] =	vst v63  }
0x4c: {  	_ = 	snop  }
0x4d: {  	[tilespmem:s21], [sflag:$0x2] =	stream.indirect.gather [hbm4b:s4+s20], $0x80, s25, s20, $0xb8;
	[tilespmem:$0x7B80] =	vst v63  }
0x4e: {  	_ =	swait.ge [sflag:s22], $0x5000  }
0x4f: {  	[sflag:s22] =	ssyncset.done $0x0  }
0x50: {  	[sflag:s22] =	ssyncadd.s32 $0xFFFFB000  }
0x51: {  	_ =	swait.ge [sflag:s23], $0x2800  }
0x52: {  	[sflag:s23] =	ssyncset.done $0x0  }
0x53: {  	[sflag:s23] =	ssyncadd.s32 $0xFFFFD800  }
0x54: {  	[hbm4b:s26+s2] =	stream.linear.scatter [tilespmem:s10], [sflag:$0x3], $0x5000, $0x38;
	[tilespmem:$0x7B80] =	vst v63  }
0x55: {  	_ =	swait.ge [sflag:s9], $0x5000  }
0x56: {  	p0 =	sne.s32 s28, $0x2D00;
	[sflag:s9] =	ssyncset.done $0x0  }
.Ltmp0:
0x57: {  	s29 =	sadd.s32 s28, s8;
	[sflag:s9] =	ssyncadd.s32 $0xFFFFB000;
	(pc) =	sbr.rel @p0 .LBB2_2-.Ltmp0, $4  }
0x58: {  	[hbm4b:s29+s2] =	stream.linear.scatter [tilespmem:s21], [sflag:$0x3], $0x2800, $0x38;
	[tilespmem:$0x7B80] =	vst v63  }
0x59: {  	_ =	swait.ge [sflag:s9], $0x2800  }
0x5a: {  	s28 =	sadd.s32 $0x500, s28;
	[sflag:s9] =	ssyncset.done $0x0  }
0x5b: {  	s25 =	sadd.s32 $0x50, s25;
	s26 =	sadd.s32 $0xA00, s26;
	[sflag:s9] =	ssyncadd.s32 $0xFFFFD800  }
0x5c: {  	s24 =	sadd.s32 $0x1, s24  }
0x5d: {  	p0 =	sne.s32 s24, s6  }
.Ltmp1:
0x5e: {  	_ = 	snop;
	(pc) =	sbr.rel @p0 .LBB2_1-.Ltmp1, $1  }
0x5f: {  	_ =	sdelay $0x3  }
0x60: {  	_ =	sfence.sel $0x180000  }
0x61: {  	[bflag:$0x0] =	sbarrier.arrive $0xFFFF  }
0x62: {  	p0 =	sne.s32 s0, $0x0;
	_ =	strace $0x90000050  }
0x63: {  	s0 =	sadd.s32 @!p0 $0x100000, s1;
	[bflag:$0x2] =	sbarrier.arrive $0xFFFF  }
0x64: {  	[sflag:s0] =	ssyncadd.tile.s32 @!p0 $0x1;
	_ =	shalt  }
.Lfunc_end2:
_tile_overlayer_lowered:
.L_overlay_start_2:
0x65: {  	(tag) =	ssettag $0x2  }
0x66: {  	s0 =	rddreg [dreg:$0x0];
	s2 =	stileid.u32  }
0x67: {  	s1 =	rddreg [dreg:$0x1];
	p0 =	sne.s32 s2, $0x0  }
0x68: {  	s3 =	rddreg [dreg:$0x2];
	[bflag:$0x3] =	sbarrier.arrive $0xFFFF;
	s2 =	simm.s32 @!p0 $0x1C03  }
0x69: {  	[timem:s3], [sflag:s2] =	dma.local @!p0 [hbm:s0], s1  }
0x6a: {  	s0 =	simm.s32 @!p0 $0x3  }
0x6b: {  	_ =	swait.ge @!p0 [sflag:s0], s1  }
0x6c: {  	s1 =	ssub.s32 @!p0 $0x0, s1;
	[sflag:s0] =	ssyncset.done @!p0 $0x0  }
0x6d: {  	[sflag:s0] =	ssyncadd.s32 @!p0 s1  }
0x6e: {  	[bflag:$0x3] =	sbarrier.arrive $0xFFFF  }
0x6f: {  	_ =	shalt  }

// kernel: kernel.14.cloned.1.call-start
scs
__scs_entry_jumppad:
0x0: {  	(pc) =	sbr.rel $0x88, $3  }
0x1: {  	(tag) =	ssettag $0x0;
	lr =	simm.s32 $0x1  }
0x2: {  	[smem:$0x3F95] =	sst lr;
	_ =	strace $0xD0000000  }
0x3: {  	_ = 	snop  }
0x4: {  	_ = 	snop  }
0x5: {  	_ = 	snop  }
0x6: {  	_ = 	snop  }
0x7: {  	_ = 	snop  }
__scs_overlays_trampoline_lowered:
0x8: {  	[smem:$0x3FA4] =	sst s0  }
0x9: {  	[smem:$0x3FA5] =	sst s1  }
0xa: {  	[smem:$0x3FA6] =	sst s2  }
0xb: {  	[smem:$0x3FA7] =	sst s3  }
0xc: {  	[smem:$0x3FA8] =	sst s4  }
0xd: {  	[smem:$0x3FA9] =	sst s5  }
0xe: {  	[smem:$0x3FAA] =	sst s6  }
0xf: {  	[smem:$0x3FAB] =	sst s7  }
0x10: {  	[smem:$0x3FAC] =	sst s8  }
0x11: {  	[smem:$0x3FAD] =	sst s9;
	s0 =	simm.s32 @!p0 $0x0  }
0x12: {  	s1 =	sld [smem:$0x3F93];
	s0 =	simm.s32 @p0 $0x1  }
0x13: {  	[smem:$0x3FAE] =	sst s0;
	s0 =	simm.s32 @!p1 $0x0  }
0x14: {  	s2 =	sld [smem:$0x3F92];
	s0 =	simm.s32 @p1 $0x1  }
0x15: {  	[smem:$0x3FAF] =	sst s0;
	s0 =	simm.s32 @!p2 $0x0  }
0x16: {  	s3 =	sld [smem:$0x3FDB];
	s0 =	simm.s32 @p2 $0x1  }
0x17: {  	s4 =	simm.s32 $0x1BF5;
	[smem:$0x3FB1] =	sst s0  }
0x18: {  	s0 =	sld [smem:$0x3F94];
	_ =	swait.ge [sflag:s4], $0x0  }
0x19: {  	s7 =	sld [smem:$0x3F95]  }
0x1a: {  	s8 =	sadd.s32 $0xFFFFE003, lr  }
0x1b: {  	s9 =	sadd.s32 $0xFFFFFEF7, lr;
	s5 =	simm.s32 $0xFFFFFFFF;
	p2 =	slt.u32 s8, $0xFFFFF086  }
0x1c: {  	p1 =	slt.u32 s9, $0xF7A;
	s5 =	simm.s32 @!p2 $0x0  }
0x1d: {  	s5 =	simm.s32 @p1 $0x1;
	p0 =	seq.s32 s7, s2  }
0x1e: {  	s7 =	smul.u32 @!p0 $0xF7A, s2;
	p2 =	seq.s32 @!p0 s5, $0x0  }
0x1f: {  	s9 =	smul.u32 $0xF7A, s1;
	s8 =	simm.s32 @!p0 $0x1BF5;
	p2 =	por !p2, p0  }
0x20: {  	[sflag:s8] =	ssyncset.s32 @!p0 $0xFFFFF086;
	s6 =	sadd.s32 @!p0 s3, s7;
	s7 =	simm.s32 @!p0 $0x108  }
0x21: {  	s3 =	sadd.s32 s3, s9;
	s6 =	sadd.s32 @!p0 $0x88, s6;
	s7 =	simm.s32 @p2 $0x1082  }
0x22: {  	[simem:s7], [sflag:s8] =	dma.local @!p0 [hbm:s6], $0xF7A  }
0x23: {  	s9 =	sor.u32 $0xD0000000, s2;
	s6 =	simm.s32 $0x108;
	_ =	swait.ge @!p0 [sflag:s8], $0x0  }
0x24: {  	s3 =	sadd.s32 $0x88, s3;
	s6 =	simm.s32 @!p1 $0x1082;
	[sflag:s4] =	ssyncset.s32 $0xFFFFF086  }
0x25: {  	[simem:s6], [sflag:s4] =	dma.local [hbm:s3], $0xF7A  }
0x26: {  	[smem:$0x3F95] =	sst s1;
	(tag) =	ssettag s2;
	_ =	strace s9  }
0x27: {  	s1 =	sld [smem:$0x3FA5]  }
0x28: {  	s2 =	sld [smem:$0x3FA6]  }
0x29: {  	s4 =	sld [smem:$0x3FA8]  }
0x2a: {  	p0 =	seq.s32 s5, $0x0;
	s5 =	sld [smem:$0x3FA9]  }
0x2b: {  	s6 =	sld [smem:$0x3FAA]  }
0x2c: {  	s7 =	sld [smem:$0x3FAB]  }
0x2d: {  	s3 =	simm.s32 $0x108;
	s8 =	sld [smem:$0x3FAC]  }
0x2e: {  	s3 =	simm.s32 @!p0 $0x1082;
	s9 =	sld [smem:$0x3FAD]  }
0x2f: {  	lr =	sadd.s32 s0, s3;
	s0 =	sld [smem:$0x3FA4]  }
0x30: {  	s3 =	sld [smem:$0x3FA7]  }
0x31: {  	[smem:$0x3FB0] =	sst s10  }
0x32: {  	s10 =	sld [smem:$0x3FAE];
	_ =	sdelay $0x3  }
0x33: {  	p0 =	seq.s32 s10, $0x1;
	s10 =	sld [smem:$0x3FB0];
	_ =	sdelay $0x3  }
0x34: {  	[smem:$0x3FB0] =	sst s10  }
0x35: {  	s10 =	sld [smem:$0x3FAF];
	_ =	sdelay $0x3  }
0x36: {  	p1 =	seq.s32 s10, $0x1;
	s10 =	sld [smem:$0x3FB0];
	_ =	sdelay $0x3  }
0x37: {  	[smem:$0x3FB0] =	sst s10  }
0x38: {  	s10 =	sld [smem:$0x3FB1]  }
0x39: {  	_ = 	snop;
	(pc) =	sbr.ind lr, $3  }
0x3a: {  	_ = 	snop  }
0x3b: {  	_ = 	snop  }
0x3c: {  	p2 =	seq.s32 s10, $0x1;
	s10 =	sld [smem:$0x3FB0]  }
0x3d: {  	_ =	shalt  }
0x3e: {  	_ =	shalt  }
0x3f: {  	_ =	shalt  }
0x40: {  	_ =	shalt  }
0x41: {  	_ =	shalt  }
0x42: {  	_ =	shalt  }
0x43: {  	_ =	shalt  }
0x44: {  	_ =	shalt  }
0x45: {  	_ =	shalt  }
0x46: {  	_ =	shalt  }
0x47: {  	_ =	shalt  }
0x48: {  	_ =	shalt  }
0x49: {  	_ =	shalt  }
0x4a: {  	_ =	shalt  }
0x4b: {  	_ =	shalt  }
0x4c: {  	_ =	shalt  }
0x4d: {  	_ =	shalt  }
0x4e: {  	_ =	shalt  }
0x4f: {  	_ =	shalt  }
0x50: {  	_ =	shalt  }
0x51: {  	_ =	shalt  }
0x52: {  	_ =	shalt  }
0x53: {  	_ =	shalt  }
0x54: {  	_ =	shalt  }
0x55: {  	_ =	shalt  }
0x56: {  	_ =	shalt  }
0x57: {  	_ =	shalt  }
0x58: {  	_ =	shalt  }
0x59: {  	_ =	shalt  }
0x5a: {  	_ =	shalt  }
0x5b: {  	_ =	shalt  }
0x5c: {  	_ =	shalt  }
0x5d: {  	_ =	shalt  }
0x5e: {  	_ =	shalt  }
0x5f: {  	_ =	shalt  }
0x60: {  	_ =	shalt  }
0x61: {  	_ =	shalt  }
0x62: {  	_ =	shalt  }
0x63: {  	_ =	shalt  }
0x64: {  	_ =	shalt  }
0x65: {  	_ =	shalt  }
0x66: {  	_ =	shalt  }
0x67: {  	_ =	shalt  }
0x68: {  	_ =	shalt  }
0x69: {  	_ =	shalt  }
0x6a: {  	_ =	shalt  }
0x6b: {  	_ =	shalt  }
0x6c: {  	_ =	shalt  }
0x6d: {  	_ =	shalt  }
0x6e: {  	_ =	shalt  }
0x6f: {  	_ =	shalt  }
0x70: {  	_ =	shalt  }
0x71: {  	_ =	shalt  }
0x72: {  	_ =	shalt  }
0x73: {  	_ =	shalt  }
0x74: {  	_ =	shalt  }
0x75: {  	_ =	shalt  }
0x76: {  	_ =	shalt  }
0x77: {  	_ =	shalt  }
0x78: {  	_ =	shalt  }
0x79: {  	_ =	shalt  }
0x7a: {  	_ =	shalt  }
0x7b: {  	_ =	shalt  }
0x7c: {  	_ =	shalt  }
0x7d: {  	_ =	shalt  }
0x7e: {  	_ =	shalt  }
0x7f: {  	_ =	shalt  }
0x80: {  	_ =	shalt  }
0x81: {  	_ =	shalt  }
0x82: {  	_ =	shalt  }
0x83: {  	_ =	shalt  }
0x84: {  	_ =	shalt  }
0x85: {  	_ =	shalt  }
0x86: {  	_ =	shalt  }
0x87: {  	_ =	shalt  }
.Lfunc_end0:
.L_simem_size_0:
called_computation.1_lowered:
.L_overlay_start_0:
0x88: {  	s2 =	sld [smem:$0x3FD9]  }
0x89: {  	s3 =	sld [smem:$0x3FFE];
	_ =	sdelay $0x1  }
0x8a: {  	s1 =	srdreg.scid  }
0x8b: {  	s0 =	sand.u32 $0x1, s1  }
0x8c: {  	s17 =	sshll.u32 s0, $0xA;
	s2 =	sadd.s32 s3, s2  }
0x8d: {  	s2 =	sadd.s32 s2, s17  }
0x8e: {  	[smem:$0x3FBC] =	sst s2  }
0x8f: {  	_ = 	snop  }
0x90: {  	(tm) =	ssettm $0x1  }
0x91: {  	s18 =	sld [smem:$0x3FFB];
	_ =	sdelay $0x3  }
0x92: {  	_ =	strace s18  }
0x93: {  	s2 =	sld [smem:$0x3FFC];
	_ =	sdelay $0x3  }
0x94: {  	_ =	strace s2  }
0x95: {  	s2 =	sld [smem:$0x3FFD];
	_ =	sdelay $0x3  }
0x96: {  	_ =	strace s2  }
0x97: {  	_ =	strace $0x8FFFFFFF  }
0x98: {  	s19 =	sld [smem:$0x3FDB];
	_ =	sdelay $0x1  }
0x99: {  	s20 =	simm.s32 $_scs_section_size  }
0x9a: {  	s4 =	simm.s32 $_size__tile_overlayer_lowered;
	s5 =	simm.s32 $_tile_overlayer_lowered  }
0x9b: {  	s6 =	simm.s32 $0x1BFF;
	s21 =	sshll.u32 s5, $0x1;
	s3 =	sadd.s32 s20, s19  }
0x9c: {  	s22 =	simm.s32 $0x0;
	s4 =	sshll.u32 s4, $0x1;
	s5 =	sadd.s32 s21, s3  }
0x9d: {  	[timem:s22], [sflag:s6] =	dma.local [hbm:s5], s4  }
0x9e: {  	_ =	swait.ge [sflag:s6], s4  }
0x9f: {  	s4 =	ssub.s32 $0x0, s4;
	[sflag:s6] =	ssyncset.done $0x0  }
0xa0: {  	[sflag:s6] =	ssyncadd.s32 s4;
	_ =	sdelay $0x1  }
0xa1: {  	s23 =	simm.s32 $0x1B8B  }
0xa2: {  	_ =	swait.ge [sflag:s23], $0x1  }
0xa3: {  	[sflag:s23] =	ssyncset.done $0x0  }
0xa4: {  	[sflag:s23] =	ssyncadd.s32 $0xFFFFFFFF  }
0xa5: {  	s4 =	sld [smem:$0x0]  }
0xa6: {  	s5 =	sand.u32 $0xFFFFFFFE, s1  }
0xa7: {  	p0 =	sne.s32 s1, s5  }
0xa8: {  	s5 =	sshll.u32 @p0 s5, $0xE  }
0xa9: {  	s5 =	sadd.s32 @p0 $0x11B8D, s5;
	s6 =	sshll.u32 @p0 s4, $0x11  }
0xaa: {  	s5 =	sor.u32 @p0 s6, s5  }
0xab: {  	[sflag:s5] =	ssyncadd.remote.s32 @p0 $0x1;
	_ =	sdelay $0x1  }
0xac: {  	s5 =	simm.s32 @p0 $0x1B8D  }
0xad: {  	_ =	swait.eq @p0 [sflag:s5], $0x1  }
0xae: {  	[sflag:s5] =	ssyncadd.s32 @p0 $0xFFFFFFFF  }
0xaf: {  	s6 =	sshll.u32 @!p0 s1, $0xE  }
0xb0: {  	s6 =	sor.u32 @!p0 $0x4000, s6;
	s5 =	simm.s32 @!p0 $0x1B8D  }
0xb1: {  	s4 =	sshll.u32 @!p0 s4, $0x11;
	s6 =	sadd.s32 @!p0 $0x11B8D, s6;
	_ =	swait.eq @!p0 [sflag:s5], $0x1  }
0xb2: {  	s4 =	sor.u32 @!p0 s4, s6;
	[sflag:s5] =	ssyncadd.s32 @!p0 $0xFFFFFFFF  }
0xb3: {  	s25 =	simm.s32 $0x1B8E;
	s24 =	sld [smem:$0x3FFE];
	[sflag:s4] =	ssyncadd.remote.s32 @!p0 $0x1  }
0xb4: {  	s26 =	simm.s32 $execute0_lowered;
	[smem:$0x3FD2] =	sst s25  }
0xb5: {  	s5 =	sshll.u32 s26, $0x1;
	_ =	strace $0x8000004C;
	[dreg:$0x1] =	wrdreg $0xFFFFFFFF  }
0xb6: {  	s28 =	simm.s32 $_size_execute0_lowered;
	s3 =	sadd.s32 s3, s5;
	[dreg:$0x0] =	wrdreg $0x0  }
0xb7: {  	s5 =	sshll.u32 s28, $0x1;
	[dreg:$0x2] =	wrdreg s3  }
0xb8: {  	[dreg:$0x3] =	wrdreg s5  }
0xb9: {  	[dreg:$0x4] =	wrdreg $0xC0  }
0xba: {  	_ =	task [dreg:s22], $0x5FFFF  }
0xbb: {  	[dreg:$0x1] =	wrdreg $0xFFFFFFFF  }
0xbc: {  	[dreg:$0x0] =	wrdreg $0x60  }
0xbd: {  	[dreg:$0x2] =	wrdreg s24  }
0xbe: {  	[dreg:$0x3] =	wrdreg $0xA  }
0xbf: {  	_ =	task.clear_ibuf [dreg:s22], $0x4FFFF;
	_ =	strace $0x9000004C  }
0xc0: {  	s29 =	simm.s32 $0xA;
	_ =	strace $0x8000004E  }
0xc1: {  	_ =	swait.ge [sflag:s29], $0x1  }
0xc2: {  	[sflag:s29] =	ssyncadd.s32 $0xFFFFFFFF  }
0xc3: {  	_ =	strace $0x9000004E  }
0xc4: {  	_ =	sfence  }
0xc5: {  	s30 =	sld [smem:$0x0];
	_ =	sdelay $0x2  }
0xc6: {  	s31 =	sshll.u32 s1, $0xD;
	s1 =	sshrl.u32 s1, $0x2  }
0xc7: {  	s4 =	sand.u32 $0x4000, s31;
	s1 =	sadd.s32 s1, s30  }
0xc8: {  	s0 =	sor.u32 s4, s0;
	s1 =	sshll.u32 s1, $0x11  }
0xc9: {  	s0 =	sor.u32 s1, s0  }
0xca: {  	s0 =	sadd.s32 $0x8F2B, s0  }
0xcb: {  	[sflag:s0] =	ssyncadd.remote.s32 $0x1  }
0xcc: {  	_ =	sfence.sel $0xFFFF  }
0xcd: {  	[dreg:$0x0] =	wrdreg $0xFFFFFFFF;
	(pc) =	sbr.abs _section_cstart, $3  }
0xce: {  	[dreg:$0x1] =	wrdreg $0xFFFFFFFF  }
0xcf: {  	_ =	task.clear_ibuf [dreg:s22], $0x2FFFF;
	_ =	strace $0x9FFFFFFF  }
0xd0: {  	(tm) =	ssettm $0x7FFFFFFF  }
0xd1: {  	_ =	shalt  }
tec
execute0_lowered:
.L_overlay_start_1:
0x0: {  	(tag) =	ssettag $0x1  }
0x1: {  	s1 =	srdreg.scid  }
0x2: {  	s0 =	stileid.u32;
	s5 =	rddreg [dreg:$0x0];
	s2 =	simm.s32 $0x0  }
0x3: {  	s14 =	simm.s32 $0x2380;
	s15 =	simm.s32 $0x2B80;
	s16 =	simm.s32 $0x3380  }
0x4: {  	s17 =	simm.s32 $0x3B80;
	s18 =	simm.s32 $0x4380;
	s19 =	simm.s32 $0x4B80  }
0x5: {  	s20 =	simm.s32 $0x50;
	s21 =	simm.s32 $0x5380;
	s22 =	simm.s32 $0x1  }
0x6: {  	s23 =	simm.s32 $0x2;
	s24 =	simm.s32 $0x0;
	s8 =	smul.u32 $0xC800, s0  }
0x7: {  	s6 =	sand.u32 $0x1, s1;
	s1 =	rddreg [dreg:$0x1];
	s9 =	smul.u32 $0x6400, s0  }
0x8: {  	s3 =	sshll.u32 s0, $0x1;
	[smem:$0x7FF] =	sst s2;
	s11 =	smul.u32 $0x6400, s6  }
0x9: {  	s4 =	sadd.s32 $0x499C00, s5;
	s3 =	sor.u32 s6, s3;
	s13 =	smul.u32 $0x3200, s6  }
0xa: {  	_ =	strace $0x8000004D;
	s10 =	ssub.s32 $0x2, s6;
	s7 =	smul.u32 $0x320, s3  }
0xb: {  	s3 =	sadd.s32 $0x5C00, s5;
	s8 =	sadd.s32 s8, s5;
	s12 =	sshrl.u32 s10, $0x1  }
0xc: {  	s9 =	sadd.s32 s9, s5;
	s29 =	ssub.s32 s10, s12;
	s30 =	sadd.s32 s11, s8  }
0xd: {  	s31 =	sadd.s32 s13, s9;
	s9 =	simm.s32 $0x3;
	s10 =	simm.s32 $0x380  }
0xe: {  	v2 =	vlaneseq.u32;
	s11 =	simm.s32 $0xB80;
	s12 =	simm.s32 $0x1380;
	s7 =	sshrl.u32 s7, $0x3  }
0xf: {  	vm0 =	vmmov $0xffff;
	v1 =	vshrl.u32 v2, $0x3;
	s13 =	simm.s32 $0x1B80;
	s8 =	sadd.s32 $0x878800, s31;
	s7 =	sadd.s32 s7, s5  }
0x10: {  	v0 =	vand.u32 $0x7, v2;
	v2 =	vor.u32 $0x8, v2;
	v1 =	vmul.u32 $0x8, v1;
	s6 =	smax.u32 s29, $0x1;
	s5 =	sadd.s32 $0x4E00, s7;
	s7 =	sadd.s32 $0x8DC800, s30  }
.LBB2_1:
0x11: {  	[tilespmem:s2], [sflag:$0x3] =	stream.linear.gather [hbm4b:s5+s2], $0x320, $0x38;
	[tilespmem:$0x7B80] =	vst v63  }
0x12: {  	_ =	swait.ge [sflag:s9], $0x320  }
0x13: {  	s25 =	simm.s32 $0x0;
	[sflag:s9] =	ssyncset.done $0x0  }
0x14: {  	s26 =	smov.u32 s7;
	s28 =	simm.s32 $0x0;
	[sflag:s9] =	ssyncadd.s32 $0xFFFFFCE0  }
.LBB2_2:
0x15: {  	v3 =	vld [tilespmem:s25+$0x0];
	_ =	sdelay $0x4  }
0x16: {  	v4 =	vshrl.u32 v3, $0x3  }
0x17: {  	v4 =	vmul.u32 $0x18, v4  }
0x18: {  	v3 =	vand.u32 $0x7, v3  }
0x19: {  	v3 =	vor.u32 v3, v4  }
0x1a: {  	v4 =	vperm.xlane v3, v0;
	_ =	sdelay $0x1  }
0x1b: {  	v3 =	vperm.xlane v3, v2;
	v4 =	vadd.s32 v1, v4;
	_ =	sdelay $0x1  }
0x1c: {  	v3 =	vadd.s32 v1, v3;
	_ =	sdelay $0x2  }
0x1d: {  	[tilespmem:s10], [sflag:$0x1] =	stream.indirect_vreg.gather [hbm4b:s3+s2], $0x80, v4, vm0, $0xb8;
	[tilespmem:$0x7B80] =	vst v63  }
0x1e: {  	_ = 	snop  }
0x1f: {  	[tilespmem:s11], [sflag:$0x1] =	stream.indirect_vreg.gather [hbm4b:s3+s2], $0x80, v3, vm0, $0xb8;
	[tilespmem:$0x7B80] =	vst v63  }
0x20: {  	v3 =	vld [tilespmem:s25+$0x10];
	_ =	sdelay $0x4  }
0x21: {  	v60 =	vshrl.u32 v3, $0x3  }
0x22: {  	v4 =	vmul.u32 $0x18, v60  }
0x23: {  	v3 =	vand.u32 $0x7, v3  }
0x24: {  	v3 =	vor.u32 v3, v4  }
0x25: {  	v4 =	vperm.xlane v3, v0;
	_ =	sdelay $0x1  }
0x26: {  	v3 =	vperm.xlane v3, v2;
	v4 =	vadd.s32 v1, v4;
	_ =	sdelay $0x1  }
0x27: {  	v3 =	vadd.s32 v1, v3;
	_ =	sdelay $0x2  }
0x28: {  	[tilespmem:s12], [sflag:$0x1] =	stream.indirect_vreg.gather [hbm4b:s3+s2], $0x80, v4, vm0, $0xb8;
	[tilespmem:$0x7B80] =	vst v63  }
0x29: {  	_ = 	snop  }
0x2a: {  	[tilespmem:s13], [sflag:$0x1] =	stream.indirect_vreg.gather [hbm4b:s3+s2], $0x80, v3, vm0, $0xb8;
	[tilespmem:$0x7B80] =	vst v63  }
0x2b: {  	v3 =	vld [tilespmem:s25+$0x20];
	_ =	sdelay $0x4  }
0x2c: {  	v61 =	vshrl.u32 v3, $0x3  }
0x2d: {  	v4 =	vmul.u32 $0x18, v61  }
0x2e: {  	v3 =	vand.u32 $0x7, v3  }
0x2f: {  	v3 =	vor.u32 v3, v4  }
0x30: {  	v4 =	vperm.xlane v3, v0;
	_ =	sdelay $0x1  }
0x31: {  	v3 =	vperm.xlane v3, v2;
	v4 =	vadd.s32 v1, v4;
	_ =	sdelay $0x1  }
0x32: {  	v3 =	vadd.s32 v1, v3;
	_ =	sdelay $0x2  }
0x33: {  	[tilespmem:s14], [sflag:$0x1] =	stream.indirect_vreg.gather [hbm4b:s3+s2], $0x80, v4, vm0, $0xb8;
	[tilespmem:$0x7B80] =	vst v63  }
0x34: {  	_ = 	snop  }
0x35: {  	[tilespmem:s15], [sflag:$0x1] =	stream.indirect_vreg.gather [hbm4b:s3+s2], $0x80, v3, vm0, $0xb8;
	[tilespmem:$0x7B80] =	vst v63  }
0x36: {  	v3 =	vld [tilespmem:s25+$0x30];
	_ =	sdelay $0x4  }
0x37: {  	v62 =	vshrl.u32 v3, $0x3  }
0x38: {  	v4 =	vmul.u32 $0x18, v62  }
0x39: {  	v3 =	vand.u32 $0x7, v3  }
0x3a: {  	v3 =	vor.u32 v3, v4  }
0x3b: {  	v4 =	vperm.xlane v3, v0;
	_ =	sdelay $0x1  }
0x3c: {  	v3 =	vperm.xlane v3, v2;
	v4 =	vadd.s32 v1, v4;
	_ =	sdelay $0x1  }
0x3d: {  	v3 =	vadd.s32 v1, v3;
	_ =	sdelay $0x2  }
0x3e: {  	[tilespmem:s16], [sflag:$0x1] =	stream.indirect_vreg.gather [hbm4b:s3+s2], $0x80, v4, vm0, $0xb8;
	[tilespmem:$0x7B80] =	vst v63  }
0x3f: {  	_ = 	snop  }
0x40: {  	[tilespmem:s17], [sflag:$0x1] =	stream.indirect_vreg.gather [hbm4b:s3+s2], $0x80, v3, vm0, $0xb8;
	[tilespmem:$0x7B80] =	vst v63  }
0x41: {  	v3 =	vld [tilespmem:s25+$0x40];
	_ =	sdelay $0x4  }
0x42: {  	v63 =	vshrl.u32 v3, $0x3  }
0x43: {  	v4 =	vmul.u32 $0x18, v63  }
0x44: {  	v3 =	vand.u32 $0x7, v3  }
0x45: {  	v3 =	vor.u32 v3, v4  }
0x46: {  	v4 =	vperm.xlane v3, v0;
	_ =	sdelay $0x1  }
0x47: {  	v3 =	vperm.xlane v3, v2;
	v4 =	vadd.s32 v1, v4;
	_ =	sdelay $0x1  }
0x48: {  	v3 =	vadd.s32 v1, v3;
	_ =	sdelay $0x2  }
0x49: {  	[tilespmem:s18], [sflag:$0x1] =	stream.indirect_vreg.gather [hbm4b:s3+s2], $0x80, v4, vm0, $0xb8;
	[tilespmem:$0x7B80] =	vst v63  }
0x4a: {  	_ = 	snop  }
0x4b: {  	[tilespmem:s19], [sflag:$0x1] =	stream.indirect_vreg.gather [hbm4b:s3+s2], $0x80, v3, vm0, $0xb8;
	[tilespmem:$0x7B80] =	vst v63  }
0x4c: {  	_ = 	snop  }
0x4d: {  	[tilespmem:s21], [sflag:$0x2] =	stream.indirect.gather [hbm4b:s4+s20], $0x80, s25, s20, $0xb8;
	[tilespmem:$0x7B80] =	vst v63  }
0x4e: {  	_ =	swait.ge [sflag:s22], $0x5000  }
0x4f: {  	[sflag:s22] =	ssyncset.done $0x0  }
0x50: {  	[sflag:s22] =	ssyncadd.s32 $0xFFFFB000  }
0x51: {  	_ =	swait.ge [sflag:s23], $0x2800  }
0x52: {  	[sflag:s23] =	ssyncset.done $0x0  }
0x53: {  	[sflag:s23] =	ssyncadd.s32 $0xFFFFD800  }
0x54: {  	[hbm4b:s26+s2] =	stream.linear.scatter [tilespmem:s10], [sflag:$0x3], $0x5000, $0x38;
	[tilespmem:$0x7B80] =	vst v63  }
0x55: {  	_ =	swait.ge [sflag:s9], $0x5000  }
0x56: {  	p0 =	sne.s32 s28, $0x2D00;
	[sflag:s9] =	ssyncset.done $0x0  }
.Ltmp0:
0x57: {  	s29 =	sadd.s32 s28, s8;
	[sflag:s9] =	ssyncadd.s32 $0xFFFFB000;
	(pc) =	sbr.rel @p0 .LBB2_2-.Ltmp0, $4  }
0x58: {  	[hbm4b:s29+s2] =	stream.linear.scatter [tilespmem:s21], [sflag:$0x3], $0x2800, $0x38;
	[tilespmem:$0x7B80] =	vst v63  }
0x59: {  	_ =	swait.ge [sflag:s9], $0x2800  }
0x5a: {  	s28 =	sadd.s32 $0x500, s28;
	[sflag:s9] =	ssyncset.done $0x0  }
0x5b: {  	s25 =	sadd.s32 $0x50, s25;
	s26 =	sadd.s32 $0xA00, s26;
	[sflag:s9] =	ssyncadd.s32 $0xFFFFD800  }
0x5c: {  	s24 =	sadd.s32 $0x1, s24  }
0x5d: {  	p0 =	sne.s32 s24, s6  }
.Ltmp1:
0x5e: {  	_ = 	snop;
	(pc) =	sbr.rel @p0 .LBB2_1-.Ltmp1, $1  }
0x5f: {  	_ =	sdelay $0x3  }
0x60: {  	_ =	sfence.sel $0x180000  }
0x61: {  	[bflag:$0x0] =	sbarrier.arrive $0xFFFF  }
0x62: {  	p0 =	sne.s32 s0, $0x0;
	_ =	strace $0x9000004D  }
0x63: {  	s0 =	sadd.s32 @!p0 $0x100000, s1;
	[bflag:$0x2] =	sbarrier.arrive $0xFFFF  }
0x64: {  	[sflag:s0] =	ssyncadd.tile.s32 @!p0 $0x1;
	_ =	shalt  }
.Lfunc_end2:
_tile_overlayer_lowered:
.L_overlay_start_2:
0x65: {  	(tag) =	ssettag $0x2  }
0x66: {  	s0 =	rddreg [dreg:$0x0];
	s2 =	stileid.u32  }
0x67: {  	s1 =	rddreg [dreg:$0x1];
	p0 =	sne.s32 s2, $0x0  }
0x68: {  	s3 =	rddreg [dreg:$0x2];
	[bflag:$0x3] =	sbarrier.arrive $0xFFFF;
	s2 =	simm.s32 @!p0 $0x1C03  }
0x69: {  	[timem:s3], [sflag:s2] =	dma.local @!p0 [hbm:s0], s1  }
0x6a: {  	s0 =	simm.s32 @!p0 $0x3  }
0x6b: {  	_ =	swait.ge @!p0 [sflag:s0], s1  }
0x6c: {  	s1 =	ssub.s32 @!p0 $0x0, s1;
	[sflag:s0] =	ssyncset.done @!p0 $0x0  }
0x6d: {  	[sflag:s0] =	ssyncadd.s32 @!p0 s1  }
0x6e: {  	[bflag:$0x3] =	sbarrier.arrive $0xFFFF  }
0x6f: {  	_ =	shalt  }

// kernel: kernel.17.cloned.1.call-start
scs
__scs_entry_jumppad:
0x0: {  	(pc) =	sbr.rel $0x88, $3  }
0x1: {  	(tag) =	ssettag $0x0;
	lr =	simm.s32 $0x1  }
0x2: {  	[smem:$0x3F95] =	sst lr;
	_ =	strace $0xD0000000  }
0x3: {  	_ = 	snop  }
0x4: {  	_ = 	snop  }
0x5: {  	_ = 	snop  }
0x6: {  	_ = 	snop  }
0x7: {  	_ = 	snop  }
__scs_overlays_trampoline_lowered:
0x8: {  	[smem:$0x3FA4] =	sst s0  }
0x9: {  	[smem:$0x3FA5] =	sst s1  }
0xa: {  	[smem:$0x3FA6] =	sst s2  }
0xb: {  	[smem:$0x3FA7] =	sst s3  }
0xc: {  	[smem:$0x3FA8] =	sst s4  }
0xd: {  	[smem:$0x3FA9] =	sst s5  }
0xe: {  	[smem:$0x3FAA] =	sst s6  }
0xf: {  	[smem:$0x3FAB] =	sst s7  }
0x10: {  	[smem:$0x3FAC] =	sst s8  }
0x11: {  	[smem:$0x3FAD] =	sst s9;
	s0 =	simm.s32 @!p0 $0x0  }
0x12: {  	s1 =	sld [smem:$0x3F93];
	s0 =	simm.s32 @p0 $0x1  }
0x13: {  	[smem:$0x3FAE] =	sst s0;
	s0 =	simm.s32 @!p1 $0x0  }
0x14: {  	s2 =	sld [smem:$0x3F92];
	s0 =	simm.s32 @p1 $0x1  }
0x15: {  	[smem:$0x3FAF] =	sst s0;
	s0 =	simm.s32 @!p2 $0x0  }
0x16: {  	s3 =	sld [smem:$0x3FDB];
	s0 =	simm.s32 @p2 $0x1  }
0x17: {  	s4 =	simm.s32 $0x1BF5;
	[smem:$0x3FB1] =	sst s0  }
0x18: {  	s0 =	sld [smem:$0x3F94];
	_ =	swait.ge [sflag:s4], $0x0  }
0x19: {  	s7 =	sld [smem:$0x3F95]  }
0x1a: {  	s8 =	sadd.s32 $0xFFFFE003, lr  }
0x1b: {  	s9 =	sadd.s32 $0xFFFFFEF7, lr;
	s5 =	simm.s32 $0xFFFFFFFF;
	p2 =	slt.u32 s8, $0xFFFFF086  }
0x1c: {  	p1 =	slt.u32 s9, $0xF7A;
	s5 =	simm.s32 @!p2 $0x0  }
0x1d: {  	s5 =	simm.s32 @p1 $0x1;
	p0 =	seq.s32 s7, s2  }
0x1e: {  	s7 =	smul.u32 @!p0 $0xF7A, s2;
	p2 =	seq.s32 @!p0 s5, $0x0  }
0x1f: {  	s9 =	smul.u32 $0xF7A, s1;
	s8 =	simm.s32 @!p0 $0x1BF5;
	p2 =	por !p2, p0  }
0x20: {  	[sflag:s8] =	ssyncset.s32 @!p0 $0xFFFFF086;
	s6 =	sadd.s32 @!p0 s3, s7;
	s7 =	simm.s32 @!p0 $0x108  }
0x21: {  	s3 =	sadd.s32 s3, s9;
	s6 =	sadd.s32 @!p0 $0x88, s6;
	s7 =	simm.s32 @p2 $0x1082  }
0x22: {  	[simem:s7], [sflag:s8] =	dma.local @!p0 [hbm:s6], $0xF7A  }
0x23: {  	s9 =	sor.u32 $0xD0000000, s2;
	s6 =	simm.s32 $0x108;
	_ =	swait.ge @!p0 [sflag:s8], $0x0  }
0x24: {  	s3 =	sadd.s32 $0x88, s3;
	s6 =	simm.s32 @!p1 $0x1082;
	[sflag:s4] =	ssyncset.s32 $0xFFFFF086  }
0x25: {  	[simem:s6], [sflag:s4] =	dma.local [hbm:s3], $0xF7A  }
0x26: {  	[smem:$0x3F95] =	sst s1;
	(tag) =	ssettag s2;
	_ =	strace s9  }
0x27: {  	s1 =	sld [smem:$0x3FA5]  }
0x28: {  	s2 =	sld [smem:$0x3FA6]  }
0x29: {  	s4 =	sld [smem:$0x3FA8]  }
0x2a: {  	p0 =	seq.s32 s5, $0x0;
	s5 =	sld [smem:$0x3FA9]  }
0x2b: {  	s6 =	sld [smem:$0x3FAA]  }
0x2c: {  	s7 =	sld [smem:$0x3FAB]  }
0x2d: {  	s3 =	simm.s32 $0x108;
	s8 =	sld [smem:$0x3FAC]  }
0x2e: {  	s3 =	simm.s32 @!p0 $0x1082;
	s9 =	sld [smem:$0x3FAD]  }
0x2f: {  	lr =	sadd.s32 s0, s3;
	s0 =	sld [smem:$0x3FA4]  }
0x30: {  	s3 =	sld [smem:$0x3FA7]  }
0x31: {  	[smem:$0x3FB0] =	sst s10  }
0x32: {  	s10 =	sld [smem:$0x3FAE];
	_ =	sdelay $0x3  }
0x33: {  	p0 =	seq.s32 s10, $0x1;
	s10 =	sld [smem:$0x3FB0];
	_ =	sdelay $0x3  }
0x34: {  	[smem:$0x3FB0] =	sst s10  }
0x35: {  	s10 =	sld [smem:$0x3FAF];
	_ =	sdelay $0x3  }
0x36: {  	p1 =	seq.s32 s10, $0x1;
	s10 =	sld [smem:$0x3FB0];
	_ =	sdelay $0x3  }
0x37: {  	[smem:$0x3FB0] =	sst s10  }
0x38: {  	s10 =	sld [smem:$0x3FB1]  }
0x39: {  	_ = 	snop;
	(pc) =	sbr.ind lr, $3  }
0x3a: {  	_ = 	snop  }
0x3b: {  	_ = 	snop  }
0x3c: {  	p2 =	seq.s32 s10, $0x1;
	s10 =	sld [smem:$0x3FB0]  }
0x3d: {  	_ =	shalt  }
0x3e: {  	_ =	shalt  }
0x3f: {  	_ =	shalt  }
0x40: {  	_ =	shalt  }
0x41: {  	_ =	shalt  }
0x42: {  	_ =	shalt  }
0x43: {  	_ =	shalt  }
0x44: {  	_ =	shalt  }
0x45: {  	_ =	shalt  }
0x46: {  	_ =	shalt  }
0x47: {  	_ =	shalt  }
0x48: {  	_ =	shalt  }
0x49: {  	_ =	shalt  }
0x4a: {  	_ =	shalt  }
0x4b: {  	_ =	shalt  }
0x4c: {  	_ =	shalt  }
0x4d: {  	_ =	shalt  }
0x4e: {  	_ =	shalt  }
0x4f: {  	_ =	shalt  }
0x50: {  	_ =	shalt  }
0x51: {  	_ =	shalt  }
0x52: {  	_ =	shalt  }
0x53: {  	_ =	shalt  }
0x54: {  	_ =	shalt  }
0x55: {  	_ =	shalt  }
0x56: {  	_ =	shalt  }
0x57: {  	_ =	shalt  }
0x58: {  	_ =	shalt  }
0x59: {  	_ =	shalt  }
0x5a: {  	_ =	shalt  }
0x5b: {  	_ =	shalt  }
0x5c: {  	_ =	shalt  }
0x5d: {  	_ =	shalt  }
0x5e: {  	_ =	shalt  }
0x5f: {  	_ =	shalt  }
0x60: {  	_ =	shalt  }
0x61: {  	_ =	shalt  }
0x62: {  	_ =	shalt  }
0x63: {  	_ =	shalt  }
0x64: {  	_ =	shalt  }
0x65: {  	_ =	shalt  }
0x66: {  	_ =	shalt  }
0x67: {  	_ =	shalt  }
0x68: {  	_ =	shalt  }
0x69: {  	_ =	shalt  }
0x6a: {  	_ =	shalt  }
0x6b: {  	_ =	shalt  }
0x6c: {  	_ =	shalt  }
0x6d: {  	_ =	shalt  }
0x6e: {  	_ =	shalt  }
0x6f: {  	_ =	shalt  }
0x70: {  	_ =	shalt  }
0x71: {  	_ =	shalt  }
0x72: {  	_ =	shalt  }
0x73: {  	_ =	shalt  }
0x74: {  	_ =	shalt  }
0x75: {  	_ =	shalt  }
0x76: {  	_ =	shalt  }
0x77: {  	_ =	shalt  }
0x78: {  	_ =	shalt  }
0x79: {  	_ =	shalt  }
0x7a: {  	_ =	shalt  }
0x7b: {  	_ =	shalt  }
0x7c: {  	_ =	shalt  }
0x7d: {  	_ =	shalt  }
0x7e: {  	_ =	shalt  }
0x7f: {  	_ =	shalt  }
0x80: {  	_ =	shalt  }
0x81: {  	_ =	shalt  }
0x82: {  	_ =	shalt  }
0x83: {  	_ =	shalt  }
0x84: {  	_ =	shalt  }
0x85: {  	_ =	shalt  }
0x86: {  	_ =	shalt  }
0x87: {  	_ =	shalt  }
.Lfunc_end0:
.L_simem_size_0:
called_computation.2_lowered:
.L_overlay_start_0:
0x88: {  	s2 =	sld [smem:$0x3FD9]  }
0x89: {  	s3 =	sld [smem:$0x3FFE];
	_ =	sdelay $0x1  }
0x8a: {  	s1 =	srdreg.scid  }
0x8b: {  	s0 =	sand.u32 $0x1, s1  }
0x8c: {  	s17 =	sshll.u32 s0, $0xA;
	s2 =	sadd.s32 s3, s2  }
0x8d: {  	s2 =	sadd.s32 s2, s17  }
0x8e: {  	[smem:$0x3FBC] =	sst s2  }
0x8f: {  	_ = 	snop  }
0x90: {  	(tm) =	ssettm $0x1  }
0x91: {  	s18 =	sld [smem:$0x3FFB];
	_ =	sdelay $0x3  }
0x92: {  	_ =	strace s18  }
0x93: {  	s2 =	sld [smem:$0x3FFC];
	_ =	sdelay $0x3  }
0x94: {  	_ =	strace s2  }
0x95: {  	s2 =	sld [smem:$0x3FFD];
	_ =	sdelay $0x3  }
0x96: {  	_ =	strace s2  }
0x97: {  	_ =	strace $0x8FFFFFFF  }
0x98: {  	s19 =	sld [smem:$0x3FDB];
	_ =	sdelay $0x1  }
0x99: {  	s20 =	simm.s32 $_scs_section_size  }
0x9a: {  	s4 =	simm.s32 $_size__tile_overlayer_lowered;
	s5 =	simm.s32 $_tile_overlayer_lowered  }
0x9b: {  	s6 =	simm.s32 $0x1BFF;
	s21 =	sshll.u32 s5, $0x1;
	s3 =	sadd.s32 s20, s19  }
0x9c: {  	s22 =	simm.s32 $0x0;
	s4 =	sshll.u32 s4, $0x1;
	s5 =	sadd.s32 s21, s3  }
0x9d: {  	[timem:s22], [sflag:s6] =	dma.local [hbm:s5], s4  }
0x9e: {  	_ =	swait.ge [sflag:s6], s4  }
0x9f: {  	s4 =	ssub.s32 $0x0, s4;
	[sflag:s6] =	ssyncset.done $0x0  }
0xa0: {  	[sflag:s6] =	ssyncadd.s32 s4;
	_ =	sdelay $0x1  }
0xa1: {  	s23 =	simm.s32 $0x1B8B  }
0xa2: {  	_ =	swait.ge [sflag:s23], $0x1  }
0xa3: {  	[sflag:s23] =	ssyncset.done $0x0  }
0xa4: {  	[sflag:s23] =	ssyncadd.s32 $0xFFFFFFFF  }
0xa5: {  	s4 =	sld [smem:$0x0]  }
0xa6: {  	s5 =	sand.u32 $0xFFFFFFFE, s1  }
0xa7: {  	p0 =	sne.s32 s1, s5  }
0xa8: {  	s5 =	sshll.u32 @p0 s5, $0xE  }
0xa9: {  	s5 =	sadd.s32 @p0 $0x11B8D, s5;
	s6 =	sshll.u32 @p0 s4, $0x11  }
0xaa: {  	s5 =	sor.u32 @p0 s6, s5  }
0xab: {  	[sflag:s5] =	ssyncadd.remote.s32 @p0 $0x1;
	_ =	sdelay $0x1  }
0xac: {  	s5 =	simm.s32 @p0 $0x1B8D  }
0xad: {  	_ =	swait.eq @p0 [sflag:s5], $0x1  }
0xae: {  	[sflag:s5] =	ssyncadd.s32 @p0 $0xFFFFFFFF  }
0xaf: {  	s6 =	sshll.u32 @!p0 s1, $0xE  }
0xb0: {  	s6 =	sor.u32 @!p0 $0x4000, s6;
	s5 =	simm.s32 @!p0 $0x1B8D  }
0xb1: {  	s4 =	sshll.u32 @!p0 s4, $0x11;
	s6 =	sadd.s32 @!p0 $0x11B8D, s6;
	_ =	swait.eq @!p0 [sflag:s5], $0x1  }
0xb2: {  	s4 =	sor.u32 @!p0 s4, s6;
	[sflag:s5] =	ssyncadd.s32 @!p0 $0xFFFFFFFF  }
0xb3: {  	s25 =	simm.s32 $0x1B8E;
	s24 =	sld [smem:$0x3FFE];
	[sflag:s4] =	ssyncadd.remote.s32 @!p0 $0x1  }
0xb4: {  	s26 =	simm.s32 $execute0_lowered;
	[smem:$0x3FD2] =	sst s25  }
0xb5: {  	s5 =	sshll.u32 s26, $0x1;
	_ =	strace $0x80000049;
	[dreg:$0x1] =	wrdreg $0xFFFFFFFF  }
0xb6: {  	s28 =	simm.s32 $_size_execute0_lowered;
	s3 =	sadd.s32 s3, s5;
	[dreg:$0x0] =	wrdreg $0x0  }
0xb7: {  	s5 =	sshll.u32 s28, $0x1;
	[dreg:$0x2] =	wrdreg s3  }
0xb8: {  	[dreg:$0x3] =	wrdreg s5  }
0xb9: {  	[dreg:$0x4] =	wrdreg $0xC0  }
0xba: {  	_ =	task [dreg:s22], $0x5FFFF  }
0xbb: {  	[dreg:$0x1] =	wrdreg $0xFFFFFFFF  }
0xbc: {  	[dreg:$0x0] =	wrdreg $0x60  }
0xbd: {  	[dreg:$0x2] =	wrdreg s24  }
0xbe: {  	[dreg:$0x3] =	wrdreg $0xB  }
0xbf: {  	_ =	task.clear_ibuf [dreg:s22], $0x4FFFF;
	_ =	strace $0x90000049  }
0xc0: {  	s29 =	simm.s32 $0xB;
	_ =	strace $0x8000004B  }
0xc1: {  	_ =	swait.ge [sflag:s29], $0x1  }
0xc2: {  	[sflag:s29] =	ssyncadd.s32 $0xFFFFFFFF  }
0xc3: {  	_ =	strace $0x9000004B  }
0xc4: {  	_ =	sfence  }
0xc5: {  	s30 =	sld [smem:$0x0];
	_ =	sdelay $0x2  }
0xc6: {  	s31 =	sshll.u32 s1, $0xD;
	s1 =	sshrl.u32 s1, $0x2  }
0xc7: {  	s4 =	sand.u32 $0x4000, s31;
	s1 =	sadd.s32 s1, s30  }
0xc8: {  	s0 =	sor.u32 s4, s0;
	s1 =	sshll.u32 s1, $0x11  }
0xc9: {  	s0 =	sor.u32 s1, s0  }
0xca: {  	s0 =	sadd.s32 $0x8F2B, s0  }
0xcb: {  	[sflag:s0] =	ssyncadd.remote.s32 $0x1  }
0xcc: {  	_ =	sfence.sel $0xFFFF  }
0xcd: {  	[dreg:$0x0] =	wrdreg $0xFFFFFFFF;
	(pc) =	sbr.abs _section_cstart, $3  }
0xce: {  	[dreg:$0x1] =	wrdreg $0xFFFFFFFF  }
0xcf: {  	_ =	task.clear_ibuf [dreg:s22], $0x2FFFF;
	_ =	strace $0x9FFFFFFF  }
0xd0: {  	(tm) =	ssettm $0x7FFFFFFF  }
0xd1: {  	_ =	shalt  }
tec
execute0_lowered:
.L_overlay_start_1:
0x0: {  	(tag) =	ssettag $0x1  }
0x1: {  	s1 =	srdreg.scid  }
0x2: {  	s0 =	stileid.u32;
	s5 =	rddreg [dreg:$0x0];
	s2 =	simm.s32 $0x0  }
0x3: {  	s14 =	simm.s32 $0x2380;
	s15 =	simm.s32 $0x2B80;
	s16 =	simm.s32 $0x3380  }
0x4: {  	s17 =	simm.s32 $0x3B80;
	s18 =	simm.s32 $0x4380;
	s19 =	simm.s32 $0x4B80  }
0x5: {  	s20 =	simm.s32 $0x50;
	s21 =	simm.s32 $0x5380;
	s22 =	simm.s32 $0x1  }
0x6: {  	s23 =	simm.s32 $0x2;
	s24 =	simm.s32 $0x0;
	s8 =	smul.u32 $0xC800, s0  }
0x7: {  	s6 =	sand.u32 $0x1, s1;
	s1 =	rddreg [dreg:$0x1];
	s9 =	smul.u32 $0x6400, s0  }
0x8: {  	s3 =	sshll.u32 s0, $0x1;
	[smem:$0x7FF] =	sst s2;
	s11 =	smul.u32 $0x6400, s6  }
0x9: {  	s4 =	sadd.s32 $0x499C00, s5;
	s3 =	sor.u32 s6, s3;
	s13 =	smul.u32 $0x3200, s6  }
0xa: {  	_ =	strace $0x8000004A;
	s10 =	ssub.s32 $0x2, s6;
	s7 =	smul.u32 $0x320, s3  }
0xb: {  	s3 =	sadd.s32 $0x5C00, s5;
	s8 =	sadd.s32 s8, s5;
	s12 =	sshrl.u32 s10, $0x1  }
0xc: {  	s9 =	sadd.s32 s9, s5;
	s29 =	ssub.s32 s10, s12;
	s30 =	sadd.s32 s11, s8  }
0xd: {  	s31 =	sadd.s32 s13, s9;
	s9 =	simm.s32 $0x3;
	s10 =	simm.s32 $0x380  }
0xe: {  	v2 =	vlaneseq.u32;
	s11 =	simm.s32 $0xB80;
	s12 =	simm.s32 $0x1380;
	s7 =	sshrl.u32 s7, $0x3  }
0xf: {  	vm0 =	vmmov $0xffff;
	v1 =	vshrl.u32 v2, $0x3;
	s13 =	simm.s32 $0x1B80;
	s8 =	sadd.s32 $0x74C800, s31;
	s7 =	sadd.s32 s7, s5  }
0x10: {  	v0 =	vand.u32 $0x7, v2;
	v2 =	vor.u32 $0x8, v2;
	v1 =	vmul.u32 $0x8, v1;
	s6 =	smax.u32 s29, $0x1;
	s5 =	sadd.s32 $0x4000, s7;
	s7 =	sadd.s32 $0x7B0800, s30  }
.LBB2_1:
0x11: {  	[tilespmem:s2], [sflag:$0x3] =	stream.linear.gather [hbm4b:s5+s2], $0x320, $0x38;
	[tilespmem:$0x7B80] =	vst v63  }
0x12: {  	_ =	swait.ge [sflag:s9], $0x320  }
0x13: {  	s25 =	simm.s32 $0x0;
	[sflag:s9] =	ssyncset.done $0x0  }
0x14: {  	s26 =	smov.u32 s7;
	s28 =	simm.s32 $0x0;
	[sflag:s9] =	ssyncadd.s32 $0xFFFFFCE0  }
.LBB2_2:
0x15: {  	v3 =	vld [tilespmem:s25+$0x0];
	_ =	sdelay $0x4  }
0x16: {  	v4 =	vshrl.u32 v3, $0x3  }
0x17: {  	v4 =	vmul.u32 $0x18, v4  }
0x18: {  	v3 =	vand.u32 $0x7, v3  }
0x19: {  	v3 =	vor.u32 v3, v4  }
0x1a: {  	v4 =	vperm.xlane v3, v0;
	_ =	sdelay $0x1  }
0x1b: {  	v3 =	vperm.xlane v3, v2;
	v4 =	vadd.s32 v1, v4;
	_ =	sdelay $0x1  }
0x1c: {  	v3 =	vadd.s32 v1, v3;
	_ =	sdelay $0x2  }
0x1d: {  	[tilespmem:s10], [sflag:$0x1] =	stream.indirect_vreg.gather [hbm4b:s3+s2], $0x80, v4, vm0, $0xb8;
	[tilespmem:$0x7B80] =	vst v63  }
0x1e: {  	_ = 	snop  }
0x1f: {  	[tilespmem:s11], [sflag:$0x1] =	stream.indirect_vreg.gather [hbm4b:s3+s2], $0x80, v3, vm0, $0xb8;
	[tilespmem:$0x7B80] =	vst v63  }
0x20: {  	v3 =	vld [tilespmem:s25+$0x10];
	_ =	sdelay $0x4  }
0x21: {  	v60 =	vshrl.u32 v3, $0x3  }
0x22: {  	v4 =	vmul.u32 $0x18, v60  }
0x23: {  	v3 =	vand.u32 $0x7, v3  }
0x24: {  	v3 =	vor.u32 v3, v4  }
0x25: {  	v4 =	vperm.xlane v3, v0;
	_ =	sdelay $0x1  }
0x26: {  	v3 =	vperm.xlane v3, v2;
	v4 =	vadd.s32 v1, v4;
	_ =	sdelay $0x1  }
0x27: {  	v3 =	vadd.s32 v1, v3;
	_ =	sdelay $0x2  }
0x28: {  	[tilespmem:s12], [sflag:$0x1] =	stream.indirect_vreg.gather [hbm4b:s3+s2], $0x80, v4, vm0, $0xb8;
	[tilespmem:$0x7B80] =	vst v63  }
0x29: {  	_ = 	snop  }
0x2a: {  	[tilespmem:s13], [sflag:$0x1] =	stream.indirect_vreg.gather [hbm4b:s3+s2], $0x80, v3, vm0, $0xb8;
	[tilespmem:$0x7B80] =	vst v63  }
0x2b: {  	v3 =	vld [tilespmem:s25+$0x20];
	_ =	sdelay $0x4  }
0x2c: {  	v61 =	vshrl.u32 v3, $0x3  }
0x2d: {  	v4 =	vmul.u32 $0x18, v61  }
0x2e: {  	v3 =	vand.u32 $0x7, v3  }
0x2f: {  	v3 =	vor.u32 v3, v4  }
0x30: {  	v4 =	vperm.xlane v3, v0;
	_ =	sdelay $0x1  }
0x31: {  	v3 =	vperm.xlane v3, v2;
	v4 =	vadd.s32 v1, v4;
	_ =	sdelay $0x1  }
0x32: {  	v3 =	vadd.s32 v1, v3;
	_ =	sdelay $0x2  }
0x33: {  	[tilespmem:s14], [sflag:$0x1] =	stream.indirect_vreg.gather [hbm4b:s3+s2], $0x80, v4, vm0, $0xb8;
	[tilespmem:$0x7B80] =	vst v63  }
0x34: {  	_ = 	snop  }
0x35: {  	[tilespmem:s15], [sflag:$0x1] =	stream.indirect_vreg.gather [hbm4b:s3+s2], $0x80, v3, vm0, $0xb8;
	[tilespmem:$0x7B80] =	vst v63  }
0x36: {  	v3 =	vld [tilespmem:s25+$0x30];
	_ =	sdelay $0x4  }
0x37: {  	v62 =	vshrl.u32 v3, $0x3  }
0x38: {  	v4 =	vmul.u32 $0x18, v62  }
0x39: {  	v3 =	vand.u32 $0x7, v3  }
0x3a: {  	v3 =	vor.u32 v3, v4  }
0x3b: {  	v4 =	vperm.xlane v3, v0;
	_ =	sdelay $0x1  }
0x3c: {  	v3 =	vperm.xlane v3, v2;
	v4 =	vadd.s32 v1, v4;
	_ =	sdelay $0x1  }
0x3d: {  	v3 =	vadd.s32 v1, v3;
	_ =	sdelay $0x2  }
0x3e: {  	[tilespmem:s16], [sflag:$0x1] =	stream.indirect_vreg.gather [hbm4b:s3+s2], $0x80, v4, vm0, $0xb8;
	[tilespmem:$0x7B80] =	vst v63  }
0x3f: {  	_ = 	snop  }
0x40: {  	[tilespmem:s17], [sflag:$0x1] =	stream.indirect_vreg.gather [hbm4b:s3+s2], $0x80, v3, vm0, $0xb8;
	[tilespmem:$0x7B80] =	vst v63  }
0x41: {  	v3 =	vld [tilespmem:s25+$0x40];
	_ =	sdelay $0x4  }
0x42: {  	v63 =	vshrl.u32 v3, $0x3  }
0x43: {  	v4 =	vmul.u32 $0x18, v63  }
0x44: {  	v3 =	vand.u32 $0x7, v3  }
0x45: {  	v3 =	vor.u32 v3, v4  }
0x46: {  	v4 =	vperm.xlane v3, v0;
	_ =	sdelay $0x1  }
0x47: {  	v3 =	vperm.xlane v3, v2;
	v4 =	vadd.s32 v1, v4;
	_ =	sdelay $0x1  }
0x48: {  	v3 =	vadd.s32 v1, v3;
	_ =	sdelay $0x2  }
0x49: {  	[tilespmem:s18], [sflag:$0x1] =	stream.indirect_vreg.gather [hbm4b:s3+s2], $0x80, v4, vm0, $0xb8;
	[tilespmem:$0x7B80] =	vst v63  }
0x4a: {  	_ = 	snop  }
0x4b: {  	[tilespmem:s19], [sflag:$0x1] =	stream.indirect_vreg.gather [hbm4b:s3+s2], $0x80, v3, vm0, $0xb8;
	[tilespmem:$0x7B80] =	vst v63  }
0x4c: {  	_ = 	snop  }
0x4d: {  	[tilespmem:s21], [sflag:$0x2] =	stream.indirect.gather [hbm4b:s4+s20], $0x80, s25, s20, $0xb8;
	[tilespmem:$0x7B80] =	vst v63  }
0x4e: {  	_ =	swait.ge [sflag:s22], $0x5000  }
0x4f: {  	[sflag:s22] =	ssyncset.done $0x0  }
0x50: {  	[sflag:s22] =	ssyncadd.s32 $0xFFFFB000  }
0x51: {  	_ =	swait.ge [sflag:s23], $0x2800  }
0x52: {  	[sflag:s23] =	ssyncset.done $0x0  }
0x53: {  	[sflag:s23] =	ssyncadd.s32 $0xFFFFD800  }
0x54: {  	[hbm4b:s26+s2] =	stream.linear.scatter [tilespmem:s10], [sflag:$0x3], $0x5000, $0x38;
	[tilespmem:$0x7B80] =	vst v63  }
0x55: {  	_ =	swait.ge [sflag:s9], $0x5000  }
0x56: {  	p0 =	sne.s32 s28, $0x2D00;
	[sflag:s9] =	ssyncset.done $0x0  }
.Ltmp0:
0x57: {  	s29 =	sadd.s32 s28, s8;
	[sflag:s9] =	ssyncadd.s32 $0xFFFFB000;
	(pc) =	sbr.rel @p0 .LBB2_2-.Ltmp0, $4  }
0x58: {  	[hbm4b:s29+s2] =	stream.linear.scatter [tilespmem:s21], [sflag:$0x3], $0x2800, $0x38;
	[tilespmem:$0x7B80] =	vst v63  }
0x59: {  	_ =	swait.ge [sflag:s9], $0x2800  }
0x5a: {  	s28 =	sadd.s32 $0x500, s28;
	[sflag:s9] =	ssyncset.done $0x0  }
0x5b: {  	s25 =	sadd.s32 $0x50, s25;
	s26 =	sadd.s32 $0xA00, s26;
	[sflag:s9] =	ssyncadd.s32 $0xFFFFD800  }
0x5c: {  	s24 =	sadd.s32 $0x1, s24  }
0x5d: {  	p0 =	sne.s32 s24, s6  }
.Ltmp1:
0x5e: {  	_ = 	snop;
	(pc) =	sbr.rel @p0 .LBB2_1-.Ltmp1, $1  }
0x5f: {  	_ =	sdelay $0x3  }
0x60: {  	_ =	sfence.sel $0x180000  }
0x61: {  	[bflag:$0x0] =	sbarrier.arrive $0xFFFF  }
0x62: {  	p0 =	sne.s32 s0, $0x0;
	_ =	strace $0x9000004A  }
0x63: {  	s0 =	sadd.s32 @!p0 $0x100000, s1;
	[bflag:$0x2] =	sbarrier.arrive $0xFFFF  }
0x64: {  	[sflag:s0] =	ssyncadd.tile.s32 @!p0 $0x1;
	_ =	shalt  }
.Lfunc_end2:
_tile_overlayer_lowered:
.L_overlay_start_2:
0x65: {  	(tag) =	ssettag $0x2  }
0x66: {  	s0 =	rddreg [dreg:$0x0];
	s2 =	stileid.u32  }
0x67: {  	s1 =	rddreg [dreg:$0x1];
	p0 =	sne.s32 s2, $0x0  }
0x68: {  	s3 =	rddreg [dreg:$0x2];
	[bflag:$0x3] =	sbarrier.arrive $0xFFFF;
	s2 =	simm.s32 @!p0 $0x1C03  }
0x69: {  	[timem:s3], [sflag:s2] =	dma.local @!p0 [hbm:s0], s1  }
0x6a: {  	s0 =	simm.s32 @!p0 $0x3  }
0x6b: {  	_ =	swait.ge @!p0 [sflag:s0], s1  }
0x6c: {  	s1 =	ssub.s32 @!p0 $0x0, s1;
	[sflag:s0] =	ssyncset.done @!p0 $0x0  }
0x6d: {  	[sflag:s0] =	ssyncadd.s32 @!p0 s1  }
0x6e: {  	[bflag:$0x3] =	sbarrier.arrive $0xFFFF  }
0x6f: {  	_ =	shalt  }

// kernel: kernel.20.cloned.1.call-start
scs
__scs_entry_jumppad:
0x0: {  	(pc) =	sbr.rel $0x88, $3  }
0x1: {  	(tag) =	ssettag $0x0;
	lr =	simm.s32 $0x1  }
0x2: {  	[smem:$0x3F95] =	sst lr;
	_ =	strace $0xD0000000  }
0x3: {  	_ = 	snop  }
0x4: {  	_ = 	snop  }
0x5: {  	_ = 	snop  }
0x6: {  	_ = 	snop  }
0x7: {  	_ = 	snop  }
__scs_overlays_trampoline_lowered:
0x8: {  	[smem:$0x3FA4] =	sst s0  }
0x9: {  	[smem:$0x3FA5] =	sst s1  }
0xa: {  	[smem:$0x3FA6] =	sst s2  }
0xb: {  	[smem:$0x3FA7] =	sst s3  }
0xc: {  	[smem:$0x3FA8] =	sst s4  }
0xd: {  	[smem:$0x3FA9] =	sst s5  }
0xe: {  	[smem:$0x3FAA] =	sst s6  }
0xf: {  	[smem:$0x3FAB] =	sst s7  }
0x10: {  	[smem:$0x3FAC] =	sst s8  }
0x11: {  	[smem:$0x3FAD] =	sst s9;
	s0 =	simm.s32 @!p0 $0x0  }
0x12: {  	s1 =	sld [smem:$0x3F93];
	s0 =	simm.s32 @p0 $0x1  }
0x13: {  	[smem:$0x3FAE] =	sst s0;
	s0 =	simm.s32 @!p1 $0x0  }
0x14: {  	s2 =	sld [smem:$0x3F92];
	s0 =	simm.s32 @p1 $0x1  }
0x15: {  	[smem:$0x3FAF] =	sst s0;
	s0 =	simm.s32 @!p2 $0x0  }
0x16: {  	s3 =	sld [smem:$0x3FDB];
	s0 =	simm.s32 @p2 $0x1  }
0x17: {  	s4 =	simm.s32 $0x1BF5;
	[smem:$0x3FB1] =	sst s0  }
0x18: {  	s0 =	sld [smem:$0x3F94];
	_ =	swait.ge [sflag:s4], $0x0  }
0x19: {  	s7 =	sld [smem:$0x3F95]  }
0x1a: {  	s8 =	sadd.s32 $0xFFFFE003, lr  }
0x1b: {  	s9 =	sadd.s32 $0xFFFFFEF7, lr;
	s5 =	simm.s32 $0xFFFFFFFF;
	p2 =	slt.u32 s8, $0xFFFFF086  }
0x1c: {  	p1 =	slt.u32 s9, $0xF7A;
	s5 =	simm.s32 @!p2 $0x0  }
0x1d: {  	s5 =	simm.s32 @p1 $0x1;
	p0 =	seq.s32 s7, s2  }
0x1e: {  	s7 =	smul.u32 @!p0 $0xF7A, s2;
	p2 =	seq.s32 @!p0 s5, $0x0  }
0x1f: {  	s9 =	smul.u32 $0xF7A, s1;
	s8 =	simm.s32 @!p0 $0x1BF5;
	p2 =	por !p2, p0  }
0x20: {  	[sflag:s8] =	ssyncset.s32 @!p0 $0xFFFFF086;
	s6 =	sadd.s32 @!p0 s3, s7;
	s7 =	simm.s32 @!p0 $0x108  }
0x21: {  	s3 =	sadd.s32 s3, s9;
	s6 =	sadd.s32 @!p0 $0x88, s6;
	s7 =	simm.s32 @p2 $0x1082  }
0x22: {  	[simem:s7], [sflag:s8] =	dma.local @!p0 [hbm:s6], $0xF7A  }
0x23: {  	s9 =	sor.u32 $0xD0000000, s2;
	s6 =	simm.s32 $0x108;
	_ =	swait.ge @!p0 [sflag:s8], $0x0  }
0x24: {  	s3 =	sadd.s32 $0x88, s3;
	s6 =	simm.s32 @!p1 $0x1082;
	[sflag:s4] =	ssyncset.s32 $0xFFFFF086  }
0x25: {  	[simem:s6], [sflag:s4] =	dma.local [hbm:s3], $0xF7A  }
0x26: {  	[smem:$0x3F95] =	sst s1;
	(tag) =	ssettag s2;
	_ =	strace s9  }
0x27: {  	s1 =	sld [smem:$0x3FA5]  }
0x28: {  	s2 =	sld [smem:$0x3FA6]  }
0x29: {  	s4 =	sld [smem:$0x3FA8]  }
0x2a: {  	p0 =	seq.s32 s5, $0x0;
	s5 =	sld [smem:$0x3FA9]  }
0x2b: {  	s6 =	sld [smem:$0x3FAA]  }
0x2c: {  	s7 =	sld [smem:$0x3FAB]  }
0x2d: {  	s3 =	simm.s32 $0x108;
	s8 =	sld [smem:$0x3FAC]  }
0x2e: {  	s3 =	simm.s32 @!p0 $0x1082;
	s9 =	sld [smem:$0x3FAD]  }
0x2f: {  	lr =	sadd.s32 s0, s3;
	s0 =	sld [smem:$0x3FA4]  }
0x30: {  	s3 =	sld [smem:$0x3FA7]  }
0x31: {  	[smem:$0x3FB0] =	sst s10  }
0x32: {  	s10 =	sld [smem:$0x3FAE];
	_ =	sdelay $0x3  }
0x33: {  	p0 =	seq.s32 s10, $0x1;
	s10 =	sld [smem:$0x3FB0];
	_ =	sdelay $0x3  }
0x34: {  	[smem:$0x3FB0] =	sst s10  }
0x35: {  	s10 =	sld [smem:$0x3FAF];
	_ =	sdelay $0x3  }
0x36: {  	p1 =	seq.s32 s10, $0x1;
	s10 =	sld [smem:$0x3FB0];
	_ =	sdelay $0x3  }
0x37: {  	[smem:$0x3FB0] =	sst s10  }
0x38: {  	s10 =	sld [smem:$0x3FB1]  }
0x39: {  	_ = 	snop;
	(pc) =	sbr.ind lr, $3  }
0x3a: {  	_ = 	snop  }
0x3b: {  	_ = 	snop  }
0x3c: {  	p2 =	seq.s32 s10, $0x1;
	s10 =	sld [smem:$0x3FB0]  }
0x3d: {  	_ =	shalt  }
0x3e: {  	_ =	shalt  }
0x3f: {  	_ =	shalt  }
0x40: {  	_ =	shalt  }
0x41: {  	_ =	shalt  }
0x42: {  	_ =	shalt  }
0x43: {  	_ =	shalt  }
0x44: {  	_ =	shalt  }
0x45: {  	_ =	shalt  }
0x46: {  	_ =	shalt  }
0x47: {  	_ =	shalt  }
0x48: {  	_ =	shalt  }
0x49: {  	_ =	shalt  }
0x4a: {  	_ =	shalt  }
0x4b: {  	_ =	shalt  }
0x4c: {  	_ =	shalt  }
0x4d: {  	_ =	shalt  }
0x4e: {  	_ =	shalt  }
0x4f: {  	_ =	shalt  }
0x50: {  	_ =	shalt  }
0x51: {  	_ =	shalt  }
0x52: {  	_ =	shalt  }
0x53: {  	_ =	shalt  }
0x54: {  	_ =	shalt  }
0x55: {  	_ =	shalt  }
0x56: {  	_ =	shalt  }
0x57: {  	_ =	shalt  }
0x58: {  	_ =	shalt  }
0x59: {  	_ =	shalt  }
0x5a: {  	_ =	shalt  }
0x5b: {  	_ =	shalt  }
0x5c: {  	_ =	shalt  }
0x5d: {  	_ =	shalt  }
0x5e: {  	_ =	shalt  }
0x5f: {  	_ =	shalt  }
0x60: {  	_ =	shalt  }
0x61: {  	_ =	shalt  }
0x62: {  	_ =	shalt  }
0x63: {  	_ =	shalt  }
0x64: {  	_ =	shalt  }
0x65: {  	_ =	shalt  }
0x66: {  	_ =	shalt  }
0x67: {  	_ =	shalt  }
0x68: {  	_ =	shalt  }
0x69: {  	_ =	shalt  }
0x6a: {  	_ =	shalt  }
0x6b: {  	_ =	shalt  }
0x6c: {  	_ =	shalt  }
0x6d: {  	_ =	shalt  }
0x6e: {  	_ =	shalt  }
0x6f: {  	_ =	shalt  }
0x70: {  	_ =	shalt  }
0x71: {  	_ =	shalt  }
0x72: {  	_ =	shalt  }
0x73: {  	_ =	shalt  }
0x74: {  	_ =	shalt  }
0x75: {  	_ =	shalt  }
0x76: {  	_ =	shalt  }
0x77: {  	_ =	shalt  }
0x78: {  	_ =	shalt  }
0x79: {  	_ =	shalt  }
0x7a: {  	_ =	shalt  }
0x7b: {  	_ =	shalt  }
0x7c: {  	_ =	shalt  }
0x7d: {  	_ =	shalt  }
0x7e: {  	_ =	shalt  }
0x7f: {  	_ =	shalt  }
0x80: {  	_ =	shalt  }
0x81: {  	_ =	shalt  }
0x82: {  	_ =	shalt  }
0x83: {  	_ =	shalt  }
0x84: {  	_ =	shalt  }
0x85: {  	_ =	shalt  }
0x86: {  	_ =	shalt  }
0x87: {  	_ =	shalt  }
.Lfunc_end0:
.L_simem_size_0:
called_computation.3_lowered:
.L_overlay_start_0:
0x88: {  	s2 =	sld [smem:$0x3FD9]  }
0x89: {  	s3 =	sld [smem:$0x3FFE];
	_ =	sdelay $0x1  }
0x8a: {  	s1 =	srdreg.scid  }
0x8b: {  	s0 =	sand.u32 $0x1, s1  }
0x8c: {  	s16 =	sshll.u32 s0, $0xA;
	s2 =	sadd.s32 s3, s2  }
0x8d: {  	s2 =	sadd.s32 s2, s16  }
0x8e: {  	[smem:$0x3FBC] =	sst s2  }
0x8f: {  	_ = 	snop  }
0x90: {  	(tm) =	ssettm $0x1  }
0x91: {  	s17 =	sld [smem:$0x3FFB];
	_ =	sdelay $0x3  }
0x92: {  	_ =	strace s17  }
0x93: {  	s2 =	sld [smem:$0x3FFC];
	_ =	sdelay $0x3  }
0x94: {  	_ =	strace s2  }
0x95: {  	s2 =	sld [smem:$0x3FFD];
	_ =	sdelay $0x3  }
0x96: {  	_ =	strace s2  }
0x97: {  	_ =	strace $0x8FFFFFFF  }
0x98: {  	s18 =	sld [smem:$0x3FDB];
	_ =	sdelay $0x1  }
0x99: {  	s19 =	simm.s32 $_scs_section_size  }
0x9a: {  	s4 =	simm.s32 $_size__tile_overlayer_lowered;
	s5 =	simm.s32 $_tile_overlayer_lowered  }
0x9b: {  	s22 =	simm.s32 $0x1BFF;
	s21 =	sshll.u32 s5, $0x1;
	s2 =	sadd.s32 s19, s18  }
0x9c: {  	s6 =	simm.s32 $0x0;
	s20 =	sshll.u32 s4, $0x1;
	s4 =	sadd.s32 s21, s2  }
0x9d: {  	[timem:s6], [sflag:s22] =	dma.local [hbm:s4], s20  }
0x9e: {  	_ =	swait.ge [sflag:s22], s20  }
0x9f: {  	s3 =	ssub.s32 $0x0, s20;
	[sflag:s22] =	ssyncset.done $0x0  }
0xa0: {  	[sflag:s22] =	ssyncadd.s32 s3;
	_ =	sdelay $0x1  }
0xa1: {  	s23 =	simm.s32 $0x1B8B  }
0xa2: {  	_ =	swait.ge [sflag:s23], $0x1  }
0xa3: {  	[sflag:s23] =	ssyncset.done $0x0  }
0xa4: {  	s25 =	simm.s32 $0x1B8E;
	s24 =	sld [smem:$0x3FFE];
	[sflag:s23] =	ssyncadd.s32 $0xFFFFFFFF  }
0xa5: {  	s26 =	simm.s32 $execute0_lowered;
	[smem:$0x3FD2] =	sst s25  }
0xa6: {  	s4 =	sshll.u32 s26, $0x1;
	_ =	strace $0x80000046;
	[dreg:$0x1] =	wrdreg $0xFFFFFFFF  }
0xa7: {  	s28 =	simm.s32 $_size_execute0_lowered;
	s2 =	sadd.s32 s2, s4;
	[dreg:$0x0] =	wrdreg $0x0  }
0xa8: {  	s4 =	sshll.u32 s28, $0x1;
	[dreg:$0x2] =	wrdreg s2  }
0xa9: {  	[dreg:$0x3] =	wrdreg s4  }
0xaa: {  	[dreg:$0x4] =	wrdreg $0xC0  }
0xab: {  	_ =	task [dreg:s6], $0x5FFFF  }
0xac: {  	[dreg:$0x1] =	wrdreg $0xFFFFFFFF  }
0xad: {  	[dreg:$0x0] =	wrdreg $0x60  }
0xae: {  	[dreg:$0x2] =	wrdreg s24  }
0xaf: {  	[dreg:$0x3] =	wrdreg $0xC  }
0xb0: {  	_ =	task.clear_ibuf [dreg:s6], $0x4FFFF;
	_ =	strace $0x90000046  }
0xb1: {  	s29 =	simm.s32 $0xC;
	_ =	strace $0x80000048  }
0xb2: {  	_ =	swait.ge [sflag:s29], $0x1  }
0xb3: {  	[sflag:s29] =	ssyncadd.s32 $0xFFFFFFFF  }
0xb4: {  	_ =	strace $0x90000048  }
0xb5: {  	_ =	sfence  }
0xb6: {  	s30 =	sld [smem:$0x0];
	_ =	sdelay $0x2  }
0xb7: {  	s31 =	sshll.u32 s1, $0xD;
	s1 =	sshrl.u32 s1, $0x2  }
0xb8: {  	s3 =	sand.u32 $0x4000, s31;
	s1 =	sadd.s32 s1, s30  }
0xb9: {  	s0 =	sor.u32 s3, s0;
	s1 =	sshll.u32 s1, $0x11  }
0xba: {  	s0 =	sor.u32 s1, s0  }
0xbb: {  	s0 =	sadd.s32 $0x8F2B, s0  }
0xbc: {  	[sflag:s0] =	ssyncadd.remote.s32 $0x1  }
0xbd: {  	_ =	sfence.sel $0xFFFF  }
0xbe: {  	[dreg:$0x0] =	wrdreg $0xFFFFFFFF;
	(pc) =	sbr.abs _section_cstart, $3  }
0xbf: {  	[dreg:$0x1] =	wrdreg $0xFFFFFFFF  }
0xc0: {  	_ =	task.clear_ibuf [dreg:s6], $0x2FFFF;
	_ =	strace $0x9FFFFFFF  }
0xc1: {  	(tm) =	ssettm $0x7FFFFFFF  }
tec
execute0_lowered:
.L_overlay_start_1:
0x0: {  	(tag) =	ssettag $0x1  }
0x1: {  	s1 =	srdreg.scid  }
0x2: {  	s0 =	stileid.u32;
	s5 =	rddreg [dreg:$0x0];
	s2 =	simm.s32 $0x0  }
0x3: {  	s14 =	simm.s32 $0x2380;
	s15 =	simm.s32 $0x2B80;
	s16 =	simm.s32 $0x3380  }
0x4: {  	s17 =	simm.s32 $0x3B80;
	s18 =	simm.s32 $0x4380;
	s19 =	simm.s32 $0x4B80  }
0x5: {  	s20 =	simm.s32 $0x50;
	s21 =	simm.s32 $0x5380;
	s22 =	simm.s32 $0x1  }
0x6: {  	s23 =	simm.s32 $0x2;
	s24 =	simm.s32 $0x0;
	s8 =	smul.u32 $0xC800, s0  }
0x7: {  	s6 =	sand.u32 $0x1, s1;
	s1 =	rddreg [dreg:$0x1];
	s9 =	smul.u32 $0x6400, s0  }
0x8: {  	s3 =	sshll.u32 s0, $0x1;
	[smem:$0x7FF] =	sst s2;
	s11 =	smul.u32 $0x6400, s6  }
0x9: {  	s4 =	sadd.s32 $0x499C00, s5;
	s3 =	sor.u32 s6, s3;
	s13 =	smul.u32 $0x3200, s6  }
0xa: {  	_ =	strace $0x80000047;
	s10 =	ssub.s32 $0x2, s6;
	s7 =	smul.u32 $0x320, s3  }
0xb: {  	s3 =	sadd.s32 $0x5C00, s5;
	s8 =	sadd.s32 s8, s5;
	s12 =	sshrl.u32 s10, $0x1  }
0xc: {  	s9 =	sadd.s32 s9, s5;
	s29 =	ssub.s32 s10, s12;
	s30 =	sadd.s32 s11, s8  }
0xd: {  	s31 =	sadd.s32 s13, s9;
	s9 =	simm.s32 $0x3;
	s10 =	simm.s32 $0x380  }
0xe: {  	v2 =	vlaneseq.u32;
	s11 =	simm.s32 $0xB80;
	s12 =	simm.s32 $0x1380;
	s7 =	sshrl.u32 s7, $0x3  }
0xf: {  	vm0 =	vmmov $0xffff;
	v1 =	vshrl.u32 v2, $0x3;
	s13 =	simm.s32 $0x1B80;
	s8 =	sadd.s32 $0x620800, s31;
	s7 =	sadd.s32 s7, s5  }
0x10: {  	v0 =	vand.u32 $0x7, v2;
	v2 =	vor.u32 $0x8, v2;
	v1 =	vmul.u32 $0x8, v1;
	s6 =	smax.u32 s29, $0x1;
	s5 =	sadd.s32 $0x3200, s7;
	s7 =	sadd.s32 $0x684800, s30  }
.LBB2_1:
0x11: {  	[tilespmem:s2], [sflag:$0x3] =	stream.linear.gather [hbm4b:s5+s2], $0x320, $0x38;
	[tilespmem:$0x7B80] =	vst v63  }
0x12: {  	_ =	swait.ge [sflag:s9], $0x320  }
0x13: {  	s25 =	simm.s32 $0x0;
	[sflag:s9] =	ssyncset.done $0x0  }
0x14: {  	s26 =	smov.u32 s7;
	s28 =	simm.s32 $0x0;
	[sflag:s9] =	ssyncadd.s32 $0xFFFFFCE0  }
.LBB2_2:
0x15: {  	v3 =	vld [tilespmem:s25+$0x0];
	_ =	sdelay $0x4  }
0x16: {  	v4 =	vshrl.u32 v3, $0x3  }
0x17: {  	v4 =	vmul.u32 $0x18, v4  }
0x18: {  	v3 =	vand.u32 $0x7, v3  }
0x19: {  	v3 =	vor.u32 v3, v4  }
0x1a: {  	v4 =	vperm.xlane v3, v0;
	_ =	sdelay $0x1  }
0x1b: {  	v3 =	vperm.xlane v3, v2;
	v4 =	vadd.s32 v1, v4;
	_ =	sdelay $0x1  }
0x1c: {  	v3 =	vadd.s32 v1, v3;
	_ =	sdelay $0x2  }
0x1d: {  	[tilespmem:s10], [sflag:$0x1] =	stream.indirect_vreg.gather [hbm4b:s3+s2], $0x80, v4, vm0, $0xb8;
	[tilespmem:$0x7B80] =	vst v63  }
0x1e: {  	_ = 	snop  }
0x1f: {  	[tilespmem:s11], [sflag:$0x1] =	stream.indirect_vreg.gather [hbm4b:s3+s2], $0x80, v3, vm0, $0xb8;
	[tilespmem:$0x7B80] =	vst v63  }
0x20: {  	v3 =	vld [tilespmem:s25+$0x10];
	_ =	sdelay $0x4  }
0x21: {  	v60 =	vshrl.u32 v3, $0x3  }
0x22: {  	v4 =	vmul.u32 $0x18, v60  }
0x23: {  	v3 =	vand.u32 $0x7, v3  }
0x24: {  	v3 =	vor.u32 v3, v4  }
0x25: {  	v4 =	vperm.xlane v3, v0;
	_ =	sdelay $0x1  }
0x26: {  	v3 =	vperm.xlane v3, v2;
	v4 =	vadd.s32 v1, v4;
	_ =	sdelay $0x1  }
0x27: {  	v3 =	vadd.s32 v1, v3;
	_ =	sdelay $0x2  }
0x28: {  	[tilespmem:s12], [sflag:$0x1] =	stream.indirect_vreg.gather [hbm4b:s3+s2], $0x80, v4, vm0, $0xb8;
	[tilespmem:$0x7B80] =	vst v63  }
0x29: {  	_ = 	snop  }
0x2a: {  	[tilespmem:s13], [sflag:$0x1] =	stream.indirect_vreg.gather [hbm4b:s3+s2], $0x80, v3, vm0, $0xb8;
	[tilespmem:$0x7B80] =	vst v63  }
0x2b: {  	v3 =	vld [tilespmem:s25+$0x20];
	_ =	sdelay $0x4  }
0x2c: {  	v61 =	vshrl.u32 v3, $0x3  }
0x2d: {  	v4 =	vmul.u32 $0x18, v61  }
0x2e: {  	v3 =	vand.u32 $0x7, v3  }
0x2f: {  	v3 =	vor.u32 v3, v4  }
0x30: {  	v4 =	vperm.xlane v3, v0;
	_ =	sdelay $0x1  }
0x31: {  	v3 =	vperm.xlane v3, v2;
	v4 =	vadd.s32 v1, v4;
	_ =	sdelay $0x1  }
0x32: {  	v3 =	vadd.s32 v1, v3;
	_ =	sdelay $0x2  }
0x33: {  	[tilespmem:s14], [sflag:$0x1] =	stream.indirect_vreg.gather [hbm4b:s3+s2], $0x80, v4, vm0, $0xb8;
	[tilespmem:$0x7B80] =	vst v63  }
0x34: {  	_ = 	snop  }
0x35: {  	[tilespmem:s15], [sflag:$0x1] =	stream.indirect_vreg.gather [hbm4b:s3+s2], $0x80, v3, vm0, $0xb8;
	[tilespmem:$0x7B80] =	vst v63  }
0x36: {  	v3 =	vld [tilespmem:s25+$0x30];
	_ =	sdelay $0x4  }
0x37: {  	v62 =	vshrl.u32 v3, $0x3  }
0x38: {  	v4 =	vmul.u32 $0x18, v62  }
0x39: {  	v3 =	vand.u32 $0x7, v3  }
0x3a: {  	v3 =	vor.u32 v3, v4  }
0x3b: {  	v4 =	vperm.xlane v3, v0;
	_ =	sdelay $0x1  }
0x3c: {  	v3 =	vperm.xlane v3, v2;
	v4 =	vadd.s32 v1, v4;
	_ =	sdelay $0x1  }
0x3d: {  	v3 =	vadd.s32 v1, v3;
	_ =	sdelay $0x2  }
0x3e: {  	[tilespmem:s16], [sflag:$0x1] =	stream.indirect_vreg.gather [hbm4b:s3+s2], $0x80, v4, vm0, $0xb8;
	[tilespmem:$0x7B80] =	vst v63  }
0x3f: {  	_ = 	snop  }
0x40: {  	[tilespmem:s17], [sflag:$0x1] =	stream.indirect_vreg.gather [hbm4b:s3+s2], $0x80, v3, vm0, $0xb8;
	[tilespmem:$0x7B80] =	vst v63  }
0x41: {  	v3 =	vld [tilespmem:s25+$0x40];
	_ =	sdelay $0x4  }
0x42: {  	v63 =	vshrl.u32 v3, $0x3  }
0x43: {  	v4 =	vmul.u32 $0x18, v63  }
0x44: {  	v3 =	vand.u32 $0x7, v3  }
0x45: {  	v3 =	vor.u32 v3, v4  }
0x46: {  	v4 =	vperm.xlane v3, v0;
	_ =	sdelay $0x1  }
0x47: {  	v3 =	vperm.xlane v3, v2;
	v4 =	vadd.s32 v1, v4;
	_ =	sdelay $0x1  }
0x48: {  	v3 =	vadd.s32 v1, v3;
	_ =	sdelay $0x2  }
0x49: {  	[tilespmem:s18], [sflag:$0x1] =	stream.indirect_vreg.gather [hbm4b:s3+s2], $0x80, v4, vm0, $0xb8;
	[tilespmem:$0x7B80] =	vst v63  }
0x4a: {  	_ = 	snop  }
0x4b: {  	[tilespmem:s19], [sflag:$0x1] =	stream.indirect_vreg.gather [hbm4b:s3+s2], $0x80, v3, vm0, $0xb8;
	[tilespmem:$0x7B80] =	vst v63  }
0x4c: {  	_ = 	snop  }
0x4d: {  	[tilespmem:s21], [sflag:$0x2] =	stream.indirect.gather [hbm4b:s4+s20], $0x80, s25, s20, $0xb8;
	[tilespmem:$0x7B80] =	vst v63  }
0x4e: {  	_ =	swait.ge [sflag:s22], $0x5000  }
0x4f: {  	[sflag:s22] =	ssyncset.done $0x0  }
0x50: {  	[sflag:s22] =	ssyncadd.s32 $0xFFFFB000  }
0x51: {  	_ =	swait.ge [sflag:s23], $0x2800  }
0x52: {  	[sflag:s23] =	ssyncset.done $0x0  }
0x53: {  	[sflag:s23] =	ssyncadd.s32 $0xFFFFD800  }
0x54: {  	[hbm4b:s26+s2] =	stream.linear.scatter [tilespmem:s10], [sflag:$0x3], $0x5000, $0x38;
	[tilespmem:$0x7B80] =	vst v63  }
0x55: {  	_ =	swait.ge [sflag:s9], $0x5000  }
0x56: {  	p0 =	sne.s32 s28, $0x2D00;
	[sflag:s9] =	ssyncset.done $0x0  }
.Ltmp0:
0x57: {  	s29 =	sadd.s32 s28, s8;
	[sflag:s9] =	ssyncadd.s32 $0xFFFFB000;
	(pc) =	sbr.rel @p0 .LBB2_2-.Ltmp0, $4  }
0x58: {  	[hbm4b:s29+s2] =	stream.linear.scatter [tilespmem:s21], [sflag:$0x3], $0x2800, $0x38;
	[tilespmem:$0x7B80] =	vst v63  }
0x59: {  	_ =	swait.ge [sflag:s9], $0x2800  }
0x5a: {  	s28 =	sadd.s32 $0x500, s28;
	[sflag:s9] =	ssyncset.done $0x0  }
0x5b: {  	s25 =	sadd.s32 $0x50, s25;
	s26 =	sadd.s32 $0xA00, s26;
	[sflag:s9] =	ssyncadd.s32 $0xFFFFD800  }
0x5c: {  	s24 =	sadd.s32 $0x1, s24  }
0x5d: {  	p0 =	sne.s32 s24, s6  }
.Ltmp1:
0x5e: {  	_ = 	snop;
	(pc) =	sbr.rel @p0 .LBB2_1-.Ltmp1, $1  }
0x5f: {  	_ =	sdelay $0x3  }
0x60: {  	_ =	sfence.sel $0x180000  }
0x61: {  	[bflag:$0x0] =	sbarrier.arrive $0xFFFF  }
0x62: {  	p0 =	sne.s32 s0, $0x0;
	_ =	strace $0x90000047  }
0x63: {  	s0 =	sadd.s32 @!p0 $0x100000, s1;
	[bflag:$0x2] =	sbarrier.arrive $0xFFFF  }
0x64: {  	[sflag:s0] =	ssyncadd.tile.s32 @!p0 $0x1;
	_ =	shalt  }
.Lfunc_end2:
_tile_overlayer_lowered:
.L_overlay_start_2:
0x65: {  	(tag) =	ssettag $0x2  }
0x66: {  	s0 =	rddreg [dreg:$0x0];
	s2 =	stileid.u32  }
0x67: {  	s1 =	rddreg [dreg:$0x1];
	p0 =	sne.s32 s2, $0x0  }
0x68: {  	s3 =	rddreg [dreg:$0x2];
	[bflag:$0x3] =	sbarrier.arrive $0xFFFF;
	s2 =	simm.s32 @!p0 $0x1C03  }
0x69: {  	[timem:s3], [sflag:s2] =	dma.local @!p0 [hbm:s0], s1  }
0x6a: {  	s0 =	simm.s32 @!p0 $0x3  }
0x6b: {  	_ =	swait.ge @!p0 [sflag:s0], s1  }
0x6c: {  	s1 =	ssub.s32 @!p0 $0x0, s1;
	[sflag:s0] =	ssyncset.done @!p0 $0x0  }
0x6d: {  	[sflag:s0] =	ssyncadd.s32 @!p0 s1  }
0x6e: {  	[bflag:$0x3] =	sbarrier.arrive $0xFFFF  }
0x6f: {  	_ =	shalt  }

</sc_bundles>
